<compile_context>
chip_gen: v7x
topology: tpu7x:2x2x1
jax: 0.10.2.dev20260603
libtpu: 0.0.44.dev20260713+nightly
codegen_flags: <defaults>
</compile_context>

<pallas_src>
import functools

import jax
import jax.numpy as jnp
from jax import lax
from jax.experimental import pallas as pl
from jax.experimental.pallas import tpu as pltpu
from jax.experimental.pallas import tpu_sc as plsc

B, N, C, D = 4, 50000, 18, 128
NPAD = 50176
R = NPAD // 128
K_CROSS = 1024
K_SEL = 256
NEG = -3.0e38
BIGI = 1 << 30


G = R // 8


def _tc_topk_body(cls_ref, cen_ref, pts_ref, ocross_ref, osort_ref, opts_ref, s_ref, m_ref):
    riota2 = lax.broadcasted_iota(jnp.int32, (R, 128), 0)
    liota2 = lax.broadcasted_iota(jnp.int32, (R, 128), 1)
    gidx2 = riota2 * 128 + liota2
    giota = lax.broadcasted_iota(jnp.int32, (G, 128), 0)
    riota8 = lax.broadcasted_iota(jnp.int32, (8, 128), 0)
    liota8 = lax.broadcasted_iota(jnp.int32, (8, 128), 1)
    liota1 = lax.broadcasted_iota(jnp.int32, (1, 128), 1)
    piota3 = lax.broadcasted_iota(jnp.int32, (3, K_SEL), 1)
    liota3 = lax.broadcasted_iota(jnp.int32, (3, 128), 1)

    for b in range(B):
        m = cls_ref[b, 0]
        for c in range(1, C):
            m = jnp.maximum(m, cls_ref[b, c])
        s = jax.nn.sigmoid(m) * jax.nn.sigmoid(cen_ref[b])
        s = jnp.where(gidx2 < N, s, jnp.float32(-1.0))
        s_ref[b] = s
        m_ref[b] = jnp.max(s.reshape(G, 8, 128), axis=1)

    def body(k, carry):
        kr = k // 128
        kl = k % 128
        for b in range(B):
            m1 = m_ref[b]
            maxv = jnp.max(m1)
            g = jnp.min(jnp.where(m1 == maxv, giota, BIGI))
            s8 = s_ref[b, pl.ds(g * 8, 8), :]
            gidx8 = (riota8 + g * 8) * 128 + liota8
            amin = jnp.min(jnp.where(s8 == maxv, gidx8, BIGI))
            row = ocross_ref[b, pl.ds(kr, 1), :]
            ocross_ref[b, pl.ds(kr, 1), :] = jnp.where(liota1 == kl, amin + b * N, row)
            s8n = jnp.where(gidx8 == amin, NEG, s8)
            s_ref[b, pl.ds(g * 8, 8), :] = s8n
            m_ref[b, pl.ds(g, 1), :] = jnp.max(s8n, axis=0, keepdims=True)
        return carry

    lax.fori_loop(0, K_CROSS, body, jnp.int32(0))

    def sbody(p, arrs):
        pr = p // 128
        pl_ = p % 128
        out = []
        for b in range(B):
            arr = arrs[b]
            mn = jnp.min(arr)
            row = osort_ref[b, pl.ds(pr, 1), :]
            osort_ref[b, pl.ds(pr, 1), :] = jnp.where(liota1 == pl_, mn, row)
            r = mn // 128
            l = mn % 128
            blk = jnp.squeeze(pts_ref[b, :, pl.ds(r, 1), :], axis=1)
            vals = jnp.sum(jnp.where(liota3 == l, blk, 0.0), axis=1, keepdims=True)
            opts_ref[b] = jnp.where(piota3 == p, vals, opts_ref[b])
            out.append(jnp.where(arr == mn, BIGI, arr))
        return tuple(out)

    arr0 = tuple(ocross_ref[b, pl.ds(0, K_SEL // 128), :] - b * N for b in range(B))
    lax.fori_loop(0, K_SEL, sbody, arr0)


_tc_topk = pl.pallas_call(
    _tc_topk_body,
    grid=(1,),
    in_specs=[
        pl.BlockSpec((B, C, R, 128), lambda i: (0, 0, 0, 0)),
        pl.BlockSpec((B, R, 128), lambda i: (0, 0, 0)),
        pl.BlockSpec((B, 3, R, 128), lambda i: (0, 0, 0, 0)),
    ],
    out_specs=[
        pl.BlockSpec((B, K_CROSS // 128, 128), lambda i: (0, 0, 0)),
        pl.BlockSpec((B, K_SEL // 128, 128), lambda i: (0, 0, 0)),
        pl.BlockSpec((B, 3, K_SEL), lambda i: (0, 0, 0)),
    ],
    out_shape=[
        jax.ShapeDtypeStruct((B, K_CROSS // 128, 128), jnp.int32),
        jax.ShapeDtypeStruct((B, K_SEL // 128, 128), jnp.int32),
        jax.ShapeDtypeStruct((B, 3, K_SEL), jnp.float32),
    ],
    scratch_shapes=[
        pltpu.VMEM((B, R, 128), jnp.float32),
        pltpu.VMEM((B, G, 128), jnp.float32),
    ],
)

N_FEAT_ROWS = B * K_CROSS + B * K_SEL
NW = 32
F_PER_W = N_FEAT_ROWS // NW


@functools.partial(
    pl.kernel,
    out_type=jax.ShapeDtypeStruct((N_FEAT_ROWS, D), jnp.float32),
    mesh=plsc.VectorSubcoreMesh(core_axis_name="c", subcore_axis_name="s"),
    scratch_types=[
        pltpu.VMEM((2, 80), jnp.int32),
        pltpu.VMEM((F_PER_W, D), jnp.float32),
        pltpu.SemaphoreType.DMA,
    ],
)
def _sc_gather(feat_hbm, fidx_hbm, ofeat, fidx_v, frows_v, semf):
    wid = lax.axis_index("s") * 2 + lax.axis_index("c")
    pltpu.sync_copy(fidx_hbm.at[pl.ds(2 * wid, 2)], fidx_v)
    c1 = pltpu.async_copy(feat_hbm.at[fidx_v.at[0]], frows_v.at[pl.ds(0, 80)], semf)
    c2 = pltpu.async_copy(feat_hbm.at[fidx_v.at[1]], frows_v.at[pl.ds(80, 80)], semf)
    c1.wait()
    c2.wait()
    pltpu.sync_copy(frows_v, ofeat.at[pl.ds(F_PER_W * wid, F_PER_W)])


def kernel(centerness, cls_scores, points, features):
    cls_t = jnp.transpose(cls_scores, (0, 2, 1))
    cls_t = jnp.pad(cls_t, ((0, 0), (0, 0), (0, NPAD - N))).reshape(B, C, R, 128)
    cen = jnp.pad(centerness.reshape(B, N), ((0, 0), (0, NPAD - N))).reshape(B, R, 128)

    pts_t = jnp.pad(jnp.transpose(points, (0, 2, 1)),
                    ((0, 0), (0, 0), (0, NPAD - N))).reshape(B, 3, R, 128)

    cross_g, sort3, sel_pts_t = _tc_topk(cls_t, cen, pts_t)
    sort_inds = sort3.reshape(B, K_SEL)
    cross_g = cross_g.reshape(B, K_CROSS)

    offs = (jnp.arange(B, dtype=jnp.int32) * N).reshape(B, 1)
    sel_g = (sort_inds + offs).reshape(-1)
    fidx = jnp.concatenate([cross_g.reshape(-1), sel_g]).reshape(64, 80)

    feat_flat = features.reshape(B * N, D)
    gfeat = _sc_gather(feat_flat, fidx)

    cross_features = gfeat[: B * K_CROSS].reshape(B, K_CROSS, D)
    sel_features = gfeat[B * K_CROSS:].reshape(B, K_SEL, D)
    sel_points = jnp.transpose(sel_pts_t, (0, 2, 1))
    return (sel_points, sel_features, sort_inds, cross_features)

# --- scband reference (transcript-rebuilt; emitter-appended) ---
"""Pipeline reference for scband-fcaf3-dneck-with-head-my-67602785239556 (READ-ONLY COPY).

The authoritative reference and input builder live on the scoring server;
editing this copy changes nothing except your own understanding.
"""

import jax, jax.numpy as jnp
import numpy as np

N_CROSS = 1024
TOP_K = 256

def setup_inputs(seed: int = 0) -> dict:
    key = jax.random.key(seed)
    k0, k1, k2, k3 = jax.random.split(key, 4)
    B, N, C, D = 4, 50000, 18, 128
    centerness = jax.random.normal(k0, (B, N, 1), dtype=jnp.float32)
    cls_scores = jax.random.normal(k1, (B, N, C), dtype=jnp.float32)
    points = jax.random.normal(k2, (B, N, 3), dtype=jnp.float32)
    features = jax.random.normal(k3, (B, N, D), dtype=jnp.float32)
    return {"centerness": centerness, "cls_scores": cls_scores, "points": points, "features": features}

def reference(centerness, cls_scores, points, features):
    # select_scores = cls_scores.sigmoid() * centerness.sigmoid()  (per-point, per-class)
    select_scores = jax.nn.sigmoid(cls_scores) * jax.nn.sigmoid(centerness)  # [B, N, C]
    max_scores = jnp.max(select_scores, axis=-1)  # [B, N]
    # cross-attention sampling: top n_cross_attention points by max score
    _, cross_inds = jax.lax.top_k(max_scores, N_CROSS)  # [B, 1024]
    cross_features = jnp.take_along_axis(features, cross_inds[..., None], axis=1)  # [B, 1024, D]
    # per-scene proposal selection: top 256, then sort indices ascending
    top_k = min(max_scores.shape[1], TOP_K)
    _, inds = jax.lax.top_k(max_scores, top_k)  # [B, 256]
    sort_inds = jnp.sort(inds, axis=-1)  # [B, 256]
    sel_features = jnp.take_along_axis(features, sort_inds[..., None], axis=1)  # [B, 256, D]
    sel_points = jnp.take_along_axis(points, sort_inds[..., None], axis=1)  # [B, 256, 3]
    return (sel_points, sel_features, sort_inds, cross_features)

if __name__ == "__main__":
    import jax
    _d = setup_inputs()
    print(jax.jit(kernel)(*tuple(_d.values())))

</pallas_src>

<mosaic_0001>
#map = affine_map<(d0, d1) -> (0, 0)>
module attributes {stable_mosaic.version = 14 : i64} {
  func.func @_sc_gather(%arg0: i32, %arg1: i32, %arg2: memref<200000x128xf32, #tpu.memory_space<hbm>>, %arg3: memref<64x80xi32, #tpu.memory_space<hbm>>, %arg4: memref<5120x128xf32, #tpu.memory_space<hbm>>, %arg5: memref<2x80xi32, #tpu.memory_space<vmem>>, %arg6: memref<160x128xf32, #tpu.memory_space<vmem>>, %arg7: memref<!tpu.dma_semaphore, #tpu.memory_space<semaphore_mem>>) attributes {dimension_semantics = [#tpu.dimension_semantics<core_parallel>, #tpu.dimension_semantics<subcore_parallel>], iteration_bounds = array<i64: 2, 16>, scalar_prefetch = 0 : i64, scratch_operands = 3 : i64, tpu.core_type = #tpu.core_type<sc_vector_subcore>, window_params = [{transform_indices = #map}, {transform_indices = #map}, {transform_indices = #map}]} {
    %mul3A = arith.constant 2 : i32
    %mul3A_0 = arith.muli %arg1, %mul3A : i32
    %add3A = arith.addi %mul3A_0, %arg0 : i32
    %mul3A_1 = arith.constant 2 : i32
    %mul3A_2 = arith.muli %mul3A_1, %add3A : i32
    "tpu.region"() ({
      %run_scoped3A = tpu.sem_alloc : memref<!tpu.dma_semaphore, #tpu.memory_space<semaphore_mem>>
      %dma_start3A_43 = arith.constant 0 : i32
      %dma_start3A_44 = tpu.memref_slice %arg3[%mul3A_2, %dma_start3A_43] : memref<64x80xi32, #tpu.memory_space<hbm>> -> memref<2x80xi32, #tpu.memory_space<hbm>>
      %dma_start3A_45 = arith.constant 0 : i32
      %dma_start3A_46 = tpu.memref_slice %arg3[%mul3A_2, %dma_start3A_45] : memref<64x80xi32, #tpu.memory_space<hbm>> -> memref<2x80xi32, #tpu.memory_space<hbm>>
      tpu.enqueue_dma source(%dma_start3A_46 : memref<2x80xi32, #tpu.memory_space<hbm>>) target(%arg5 : memref<2x80xi32, #tpu.memory_space<vmem>>) target_semaphore(%run_scoped3A : memref<!tpu.dma_semaphore, #tpu.memory_space<semaphore_mem>>)
      %dma_wait3A_47 = arith.constant 0 : i32
      %dma_wait3A_48 = tpu.memref_slice %arg3[%mul3A_2, %dma_wait3A_47] : memref<64x80xi32, #tpu.memory_space<hbm>> -> memref<2x80xi32, #tpu.memory_space<hbm>>
      %dma_wait3A_49 = arith.constant 0 : i32
      %dma_wait3A_50 = tpu.memref_slice %arg3[%mul3A_2, %dma_wait3A_49] : memref<64x80xi32, #tpu.memory_space<hbm>> -> memref<2x80xi32, #tpu.memory_space<hbm>>
      tpu.wait_dma2 semaphore(%run_scoped3A : memref<!tpu.dma_semaphore, #tpu.memory_space<semaphore_mem>>) src(%dma_wait3A_50 : memref<2x80xi32, #tpu.memory_space<hbm>>) dst(%arg5 : memref<2x80xi32, #tpu.memory_space<vmem>>)
      tpu.yield
    }) : () -> ()
    %dma_start3A = arith.constant 0 : i32
    %dma_start3A_3 = arith.constant 0 : i32
    %dma_start3A_4 = arith.constant 0 : i32
    %dma_start3A_5 = tpu.memref_slice %arg6[%dma_start3A_3, %dma_start3A_4] : memref<160x128xf32, #tpu.memory_space<vmem>> -> memref<80x128xf32, #tpu.memory_space<vmem>>
    %dma_start3A_6 = arith.constant 0 : i32
    %dma_start3A_7 = tpu.memref_slice %arg5[%dma_start3A, %dma_start3A_6] : memref<2x80xi32, #tpu.memory_space<vmem>> -> memref<1x80xi32, #tpu.memory_space<vmem>>
    %dma_start3A_8 = tpu.memref_squeeze %dma_start3A_7 : memref<1x80xi32, #tpu.memory_space<vmem>> -> memref<80xi32, #tpu.memory_space<vmem>>
    %dma_start3A_9 = arith.constant 0 : i32
    %dma_start3A_10 = arith.constant 0 : i32
    %dma_start3A_11 = tpu.memref_slice %arg2[%dma_start3A_9, %dma_start3A_10] : memref<200000x128xf32, #tpu.memory_space<hbm>> -> memref<200000x128xf32, #tpu.memory_space<hbm>>
    tpu.enqueue_indirect_dma source(%dma_start3A_11 : memref<200000x128xf32, #tpu.memory_space<hbm>>) target(%dma_start3A_5 : memref<80x128xf32, #tpu.memory_space<vmem>>) offsets(%dma_start3A_8 : memref<80xi32, #tpu.memory_space<vmem>>) semaphore(%arg7 : memref<!tpu.dma_semaphore, #tpu.memory_space<semaphore_mem>>)
    %dma_start3A_12 = arith.constant 1 : i32
    %dma_start3A_13 = arith.constant 80 : i32
    %dma_start3A_14 = arith.constant 0 : i32
    %dma_start3A_15 = tpu.memref_slice %arg6[%dma_start3A_13, %dma_start3A_14] : memref<160x128xf32, #tpu.memory_space<vmem>> -> memref<80x128xf32, #tpu.memory_space<vmem>>
    %dma_start3A_16 = arith.constant 0 : i32
    %dma_start3A_17 = tpu.memref_slice %arg5[%dma_start3A_12, %dma_start3A_16] : memref<2x80xi32, #tpu.memory_space<vmem>> -> memref<1x80xi32, #tpu.memory_space<vmem>>
    %dma_start3A_18 = tpu.memref_squeeze %dma_start3A_17 : memref<1x80xi32, #tpu.memory_space<vmem>> -> memref<80xi32, #tpu.memory_space<vmem>>
    %dma_start3A_19 = arith.constant 0 : i32
    %dma_start3A_20 = arith.constant 0 : i32
    %dma_start3A_21 = tpu.memref_slice %arg2[%dma_start3A_19, %dma_start3A_20] : memref<200000x128xf32, #tpu.memory_space<hbm>> -> memref<200000x128xf32, #tpu.memory_space<hbm>>
    tpu.enqueue_indirect_dma source(%dma_start3A_21 : memref<200000x128xf32, #tpu.memory_space<hbm>>) target(%dma_start3A_15 : memref<80x128xf32, #tpu.memory_space<vmem>>) offsets(%dma_start3A_18 : memref<80xi32, #tpu.memory_space<vmem>>) semaphore(%arg7 : memref<!tpu.dma_semaphore, #tpu.memory_space<semaphore_mem>>)
    %dma_wait3A = arith.constant 0 : i32
    %dma_wait3A_22 = arith.constant 0 : i32
    %dma_wait3A_23 = arith.constant 0 : i32
    %dma_wait3A_24 = tpu.memref_slice %arg6[%dma_wait3A_22, %dma_wait3A_23] : memref<160x128xf32, #tpu.memory_space<vmem>> -> memref<80x128xf32, #tpu.memory_space<vmem>>
    %dma_wait3A_25 = arith.constant 0 : i32
    %dma_wait3A_26 = tpu.memref_slice %arg5[%dma_wait3A, %dma_wait3A_25] : memref<2x80xi32, #tpu.memory_space<vmem>> -> memref<1x80xi32, #tpu.memory_space<vmem>>
    %dma_wait3A_27 = tpu.memref_squeeze %dma_wait3A_26 : memref<1x80xi32, #tpu.memory_space<vmem>> -> memref<80xi32, #tpu.memory_space<vmem>>
    %dma_wait3A_28 = arith.constant 0 : i32
    %dma_wait3A_29 = arith.constant 0 : i32
    %dma_wait3A_30 = tpu.memref_slice %arg2[%dma_wait3A_28, %dma_wait3A_29] : memref<200000x128xf32, #tpu.memory_space<hbm>> -> memref<200000x128xf32, #tpu.memory_space<hbm>>
    tpu.wait_indirect_dma semaphore(%arg7 : memref<!tpu.dma_semaphore, #tpu.memory_space<semaphore_mem>>) src(%dma_wait3A_30 : memref<200000x128xf32, #tpu.memory_space<hbm>>) dst(%dma_wait3A_24 : memref<80x128xf32, #tpu.memory_space<vmem>>)
    %dma_wait3A_31 = arith.constant 1 : i32
    %dma_wait3A_32 = arith.constant 80 : i32
    %dma_wait3A_33 = arith.constant 0 : i32
    %dma_wait3A_34 = tpu.memref_slice %arg6[%dma_wait3A_32, %dma_wait3A_33] : memref<160x128xf32, #tpu.memory_space<vmem>> -> memref<80x128xf32, #tpu.memory_space<vmem>>
    %dma_wait3A_35 = arith.constant 0 : i32
    %dma_wait3A_36 = tpu.memref_slice %arg5[%dma_wait3A_31, %dma_wait3A_35] : memref<2x80xi32, #tpu.memory_space<vmem>> -> memref<1x80xi32, #tpu.memory_space<vmem>>
    %dma_wait3A_37 = tpu.memref_squeeze %dma_wait3A_36 : memref<1x80xi32, #tpu.memory_space<vmem>> -> memref<80xi32, #tpu.memory_space<vmem>>
    %dma_wait3A_38 = arith.constant 0 : i32
    %dma_wait3A_39 = arith.constant 0 : i32
    %dma_wait3A_40 = tpu.memref_slice %arg2[%dma_wait3A_38, %dma_wait3A_39] : memref<200000x128xf32, #tpu.memory_space<hbm>> -> memref<200000x128xf32, #tpu.memory_space<hbm>>
    tpu.wait_indirect_dma semaphore(%arg7 : memref<!tpu.dma_semaphore, #tpu.memory_space<semaphore_mem>>) src(%dma_wait3A_40 : memref<200000x128xf32, #tpu.memory_space<hbm>>) dst(%dma_wait3A_34 : memref<80x128xf32, #tpu.memory_space<vmem>>)
    %mul3A_41 = arith.constant 160 : i32
    %mul3A_42 = arith.muli %mul3A_41, %add3A : i32
    "tpu.region"() ({
      %run_scoped3A = tpu.sem_alloc : memref<!tpu.dma_semaphore, #tpu.memory_space<semaphore_mem>>
      %dma_start3A_43 = arith.constant 0 : i32
      %dma_start3A_44 = tpu.memref_slice %arg4[%mul3A_42, %dma_start3A_43] : memref<5120x128xf32, #tpu.memory_space<hbm>> -> memref<160x128xf32, #tpu.memory_space<hbm>>
      %dma_start3A_45 = arith.constant 0 : i32
      %dma_start3A_46 = tpu.memref_slice %arg4[%mul3A_42, %dma_start3A_45] : memref<5120x128xf32, #tpu.memory_space<hbm>> -> memref<160x128xf32, #tpu.memory_space<hbm>>
      tpu.enqueue_dma source(%arg6 : memref<160x128xf32, #tpu.memory_space<vmem>>) target(%dma_start3A_46 : memref<160x128xf32, #tpu.memory_space<hbm>>) target_semaphore(%run_scoped3A : memref<!tpu.dma_semaphore, #tpu.memory_space<semaphore_mem>>)
      %dma_wait3A_47 = arith.constant 0 : i32
      %dma_wait3A_48 = tpu.memref_slice %arg4[%mul3A_42, %dma_wait3A_47] : memref<5120x128xf32, #tpu.memory_space<hbm>> -> memref<160x128xf32, #tpu.memory_space<hbm>>
      %dma_wait3A_49 = arith.constant 0 : i32
      %dma_wait3A_50 = tpu.memref_slice %arg4[%mul3A_42, %dma_wait3A_49] : memref<5120x128xf32, #tpu.memory_space<hbm>> -> memref<160x128xf32, #tpu.memory_space<hbm>>
      tpu.wait_dma2 semaphore(%run_scoped3A : memref<!tpu.dma_semaphore, #tpu.memory_space<semaphore_mem>>) src(%arg6 : memref<160x128xf32, #tpu.memory_space<vmem>>) dst(%dma_wait3A_50 : memref<160x128xf32, #tpu.memory_space<hbm>>)
      tpu.yield
    }) : () -> ()
    return
  }
}

module attributes {stable_mosaic.version = 14 : i64} {
  func.func @_tc_topk_body(%arg0: i32, %arg1: memref<4x18x392x128xf32, #tpu.memory_space<vmem>>, %arg2: memref<4x392x128xf32, #tpu.memory_space<vmem>>, %arg3: memref<4x3x392x128xf32, #tpu.memory_space<vmem>>, %arg4: memref<4x8x128xi32, #tpu.memory_space<vmem>>, %arg5: memref<4x2x128xi32, #tpu.memory_space<vmem>>, %arg6: memref<4x3x256xf32, #tpu.memory_space<vmem>>, %arg7: memref<4x392x128xf32, #tpu.memory_space<vmem>>, %arg8: memref<4x49x128xf32, #tpu.memory_space<vmem>>) attributes {dimension_semantics = [#tpu.dimension_semantics<arbitrary>], iteration_bounds = array<i64: 1>, scalar_prefetch = 0 : i64, scratch_operands = 2 : i64, tpu.core_type = #tpu.core_type<tc>, window_params = [{pipeline_mode = #tpu.pipeline_mode<synchronous>, transform_indices = @transform_0, window_bounds = array<i64: 4, 18, 392, 128>}, {pipeline_mode = #tpu.pipeline_mode<synchronous>, transform_indices = @transform_1, window_bounds = array<i64: 4, 392, 128>}, {pipeline_mode = #tpu.pipeline_mode<synchronous>, transform_indices = @transform_2, window_bounds = array<i64: 4, 3, 392, 128>}, {pipeline_mode = #tpu.pipeline_mode<synchronous>, transform_indices = @transform_3, window_bounds = array<i64: 4, 8, 128>}, {pipeline_mode = #tpu.pipeline_mode<synchronous>, transform_indices = @transform_4, window_bounds = array<i64: 4, 2, 128>}, {pipeline_mode = #tpu.pipeline_mode<synchronous>, transform_indices = @transform_5, window_bounds = array<i64: 4, 3, 256>}]} {
    %iota3A = tpu.iota {dimensions = array<i32: 0>} : vector<392x128xi32>
    %iota3A_0 = tpu.iota {dimensions = array<i32: 1>} : vector<392x128xi32>
    %mul3A = arith.constant 128 : i32
    %mul3A_1 = vector.broadcast %mul3A : i32 to vector<392x128xi32>
    %mul3A_2 = arith.muli %iota3A, %mul3A_1 : vector<392x128xi32>
    %add3A = arith.addi %mul3A_2, %iota3A_0 : vector<392x128xi32>
    %iota3A_3 = tpu.iota {dimensions = array<i32: 0>} : vector<49x128xi32>
    %iota3A_4 = tpu.iota {dimensions = array<i32: 0>} : vector<8x128xi32>
    %iota3A_5 = tpu.iota {dimensions = array<i32: 1>} : vector<8x128xi32>
    %iota3A_6 = tpu.iota {dimensions = array<i32: 1>} : vector<1x128xi32>
    %iota3A_7 = tpu.iota {dimensions = array<i32: 1>} : vector<3x256xi32>
    %iota3A_8 = tpu.iota {dimensions = array<i32: 1>} : vector<3x128xi32>
    %get3A = arith.constant 0 : index
    %get3A_9 = arith.constant 0 : index
    %get3A_10 = arith.constant 0 : index
    %get3A_11 = arith.constant 0 : index
    %get3A_12 = vector.load %arg1[%get3A, %get3A_9, %get3A_10, %get3A_11] : memref<4x18x392x128xf32, #tpu.memory_space<vmem>>, vector<1x1x392x128xf32>
    %get3A_13 = vector.shape_cast %get3A_12 : vector<1x1x392x128xf32> to vector<392x128xf32>
    %get3A_14 = arith.constant 0 : index
    %get3A_15 = arith.constant 1 : index
    %get3A_16 = arith.constant 0 : index
    %get3A_17 = arith.constant 0 : index
    %get3A_18 = vector.load %arg1[%get3A_14, %get3A_15, %get3A_16, %get3A_17] : memref<4x18x392x128xf32, #tpu.memory_space<vmem>>, vector<1x1x392x128xf32>
    %get3A_19 = vector.shape_cast %get3A_18 : vector<1x1x392x128xf32> to vector<392x128xf32>
    %max3A = arith.maximumf %get3A_13, %get3A_19 : vector<392x128xf32>
    %get3A_20 = arith.constant 0 : index
    %get3A_21 = arith.constant 2 : index
    %get3A_22 = arith.constant 0 : index
    %get3A_23 = arith.constant 0 : index
    %get3A_24 = vector.load %arg1[%get3A_20, %get3A_21, %get3A_22, %get3A_23] : memref<4x18x392x128xf32, #tpu.memory_space<vmem>>, vector<1x1x392x128xf32>
    %get3A_25 = vector.shape_cast %get3A_24 : vector<1x1x392x128xf32> to vector<392x128xf32>
    %max3A_26 = arith.maximumf %max3A, %get3A_25 : vector<392x128xf32>
    %get3A_27 = arith.constant 0 : index
    %get3A_28 = arith.constant 3 : index
    %get3A_29 = arith.constant 0 : index
    %get3A_30 = arith.constant 0 : index
    %get3A_31 = vector.load %arg1[%get3A_27, %get3A_28, %get3A_29, %get3A_30] : memref<4x18x392x128xf32, #tpu.memory_space<vmem>>, vector<1x1x392x128xf32>
    %get3A_32 = vector.shape_cast %get3A_31 : vector<1x1x392x128xf32> to vector<392x128xf32>
    %max3A_33 = arith.maximumf %max3A_26, %get3A_32 : vector<392x128xf32>
    %get3A_34 = arith.constant 0 : index
    %get3A_35 = arith.constant 4 : index
    %get3A_36 = arith.constant 0 : index
    %get3A_37 = arith.constant 0 : index
    %get3A_38 = vector.load %arg1[%get3A_34, %get3A_35, %get3A_36, %get3A_37] : memref<4x18x392x128xf32, #tpu.memory_space<vmem>>, vector<1x1x392x128xf32>
    %get3A_39 = vector.shape_cast %get3A_38 : vector<1x1x392x128xf32> to vector<392x128xf32>
    %max3A_40 = arith.maximumf %max3A_33, %get3A_39 : vector<392x128xf32>
    %get3A_41 = arith.constant 0 : index
    %get3A_42 = arith.constant 5 : index
    %get3A_43 = arith.constant 0 : index
    %get3A_44 = arith.constant 0 : index
    %get3A_45 = vector.load %arg1[%get3A_41, %get3A_42, %get3A_43, %get3A_44] : memref<4x18x392x128xf32, #tpu.memory_space<vmem>>, vector<1x1x392x128xf32>
    %get3A_46 = vector.shape_cast %get3A_45 : vector<1x1x392x128xf32> to vector<392x128xf32>
    %max3A_47 = arith.maximumf %max3A_40, %get3A_46 : vector<392x128xf32>
    %get3A_48 = arith.constant 0 : index
    %get3A_49 = arith.constant 6 : index
    %get3A_50 = arith.constant 0 : index
    %get3A_51 = arith.constant 0 : index
    %get3A_52 = vector.load %arg1[%get3A_48, %get3A_49, %get3A_50, %get3A_51] : memref<4x18x392x128xf32, #tpu.memory_space<vmem>>, vector<1x1x392x128xf32>
    %get3A_53 = vector.shape_cast %get3A_52 : vector<1x1x392x128xf32> to vector<392x128xf32>
    %max3A_54 = arith.maximumf %max3A_47, %get3A_53 : vector<392x128xf32>
    %get3A_55 = arith.constant 0 : index
    %get3A_56 = arith.constant 7 : index
    %get3A_57 = arith.constant 0 : index
    %get3A_58 = arith.constant 0 : index
    %get3A_59 = vector.load %arg1[%get3A_55, %get3A_56, %get3A_57, %get3A_58] : memref<4x18x392x128xf32, #tpu.memory_space<vmem>>, vector<1x1x392x128xf32>
    %get3A_60 = vector.shape_cast %get3A_59 : vector<1x1x392x128xf32> to vector<392x128xf32>
    %max3A_61 = arith.maximumf %max3A_54, %get3A_60 : vector<392x128xf32>
    %get3A_62 = arith.constant 0 : index
    %get3A_63 = arith.constant 8 : index
    %get3A_64 = arith.constant 0 : index
    %get3A_65 = arith.constant 0 : index
    %get3A_66 = vector.load %arg1[%get3A_62, %get3A_63, %get3A_64, %get3A_65] : memref<4x18x392x128xf32, #tpu.memory_space<vmem>>, vector<1x1x392x128xf32>
    %get3A_67 = vector.shape_cast %get3A_66 : vector<1x1x392x128xf32> to vector<392x128xf32>
    %max3A_68 = arith.maximumf %max3A_61, %get3A_67 : vector<392x128xf32>
    %get3A_69 = arith.constant 0 : index
    %get3A_70 = arith.constant 9 : index
    %get3A_71 = arith.constant 0 : index
    %get3A_72 = arith.constant 0 : index
    %get3A_73 = vector.load %arg1[%get3A_69, %get3A_70, %get3A_71, %get3A_72] : memref<4x18x392x128xf32, #tpu.memory_space<vmem>>, vector<1x1x392x128xf32>
    %get3A_74 = vector.shape_cast %get3A_73 : vector<1x1x392x128xf32> to vector<392x128xf32>
    %max3A_75 = arith.maximumf %max3A_68, %get3A_74 : vector<392x128xf32>
    %get3A_76 = arith.constant 0 : index
    %get3A_77 = arith.constant 10 : index
    %get3A_78 = arith.constant 0 : index
    %get3A_79 = arith.constant 0 : index
    %get3A_80 = vector.load %arg1[%get3A_76, %get3A_77, %get3A_78, %get3A_79] : memref<4x18x392x128xf32, #tpu.memory_space<vmem>>, vector<1x1x392x128xf32>
    %get3A_81 = vector.shape_cast %get3A_80 : vector<1x1x392x128xf32> to vector<392x128xf32>
    %max3A_82 = arith.maximumf %max3A_75, %get3A_81 : vector<392x128xf32>
    %get3A_83 = arith.constant 0 : index
    %get3A_84 = arith.constant 11 : index
    %get3A_85 = arith.constant 0 : index
    %get3A_86 = arith.constant 0 : index
    %get3A_87 = vector.load %arg1[%get3A_83, %get3A_84, %get3A_85, %get3A_86] : memref<4x18x392x128xf32, #tpu.memory_space<vmem>>, vector<1x1x392x128xf32>
    %get3A_88 = vector.shape_cast %get3A_87 : vector<1x1x392x128xf32> to vector<392x128xf32>
    %max3A_89 = arith.maximumf %max3A_82, %get3A_88 : vector<392x128xf32>
    %get3A_90 = arith.constant 0 : index
    %get3A_91 = arith.constant 12 : index
    %get3A_92 = arith.constant 0 : index
    %get3A_93 = arith.constant 0 : index
    %get3A_94 = vector.load %arg1[%get3A_90, %get3A_91, %get3A_92, %get3A_93] : memref<4x18x392x128xf32, #tpu.memory_space<vmem>>, vector<1x1x392x128xf32>
    %get3A_95 = vector.shape_cast %get3A_94 : vector<1x1x392x128xf32> to vector<392x128xf32>
    %max3A_96 = arith.maximumf %max3A_89, %get3A_95 : vector<392x128xf32>
    %get3A_97 = arith.constant 0 : index
    %get3A_98 = arith.constant 13 : index
    %get3A_99 = arith.constant 0 : index
    %get3A_100 = arith.constant 0 : index
    %get3A_101 = vector.load %arg1[%get3A_97, %get3A_98, %get3A_99, %get3A_100] : memref<4x18x392x128xf32, #tpu.memory_space<vmem>>, vector<1x1x392x128xf32>
    %get3A_102 = vector.shape_cast %get3A_101 : vector<1x1x392x128xf32> to vector<392x128xf32>
    %max3A_103 = arith.maximumf %max3A_96, %get3A_102 : vector<392x128xf32>
    %get3A_104 = arith.constant 0 : index
    %get3A_105 = arith.constant 14 : index
    %get3A_106 = arith.constant 0 : index
    %get3A_107 = arith.constant 0 : index
    %get3A_108 = vector.load %arg1[%get3A_104, %get3A_105, %get3A_106, %get3A_107] : memref<4x18x392x128xf32, #tpu.memory_space<vmem>>, vector<1x1x392x128xf32>
    %get3A_109 = vector.shape_cast %get3A_108 : vector<1x1x392x128xf32> to vector<392x128xf32>
    %max3A_110 = arith.maximumf %max3A_103, %get3A_109 : vector<392x128xf32>
    %get3A_111 = arith.constant 0 : index
    %get3A_112 = arith.constant 15 : index
    %get3A_113 = arith.constant 0 : index
    %get3A_114 = arith.constant 0 : index
    %get3A_115 = vector.load %arg1[%get3A_111, %get3A_112, %get3A_113, %get3A_114] : memref<4x18x392x128xf32, #tpu.memory_space<vmem>>, vector<1x1x392x128xf32>
    %get3A_116 = vector.shape_cast %get3A_115 : vector<1x1x392x128xf32> to vector<392x128xf32>
    %max3A_117 = arith.maximumf %max3A_110, %get3A_116 : vector<392x128xf32>
    %get3A_118 = arith.constant 0 : index
    %get3A_119 = arith.constant 16 : index
    %get3A_120 = arith.constant 0 : index
    %get3A_121 = arith.constant 0 : index
    %get3A_122 = vector.load %arg1[%get3A_118, %get3A_119, %get3A_120, %get3A_121] : memref<4x18x392x128xf32, #tpu.memory_space<vmem>>, vector<1x1x392x128xf32>
    %get3A_123 = vector.shape_cast %get3A_122 : vector<1x1x392x128xf32> to vector<392x128xf32>
    %max3A_124 = arith.maximumf %max3A_117, %get3A_123 : vector<392x128xf32>
    %get3A_125 = arith.constant 0 : index
    %get3A_126 = arith.constant 17 : index
    %get3A_127 = arith.constant 0 : index
    %get3A_128 = arith.constant 0 : index
    %get3A_129 = vector.load %arg1[%get3A_125, %get3A_126, %get3A_127, %get3A_128] : memref<4x18x392x128xf32, #tpu.memory_space<vmem>>, vector<1x1x392x128xf32>
    %get3A_130 = vector.shape_cast %get3A_129 : vector<1x1x392x128xf32> to vector<392x128xf32>
    %max3A_131 = arith.maximumf %max3A_124, %get3A_130 : vector<392x128xf32>
    %logistic3A = arith.negf %max3A_131 : vector<392x128xf32>
    %logistic3A_132 = math.exp %logistic3A : vector<392x128xf32>
    %logistic3A_133 = arith.constant 1.000000e+00 : f32
    %logistic3A_134 = vector.broadcast %logistic3A_133 : f32 to vector<392x128xf32>
    %logistic3A_135 = arith.addf %logistic3A_134, %logistic3A_132 : vector<392x128xf32>
    %logistic3A_136 = arith.divf %logistic3A_134, %logistic3A_135 : vector<392x128xf32>
    %get3A_137 = arith.constant 0 : index
    %get3A_138 = arith.constant 0 : index
    %get3A_139 = arith.constant 0 : index
    %get3A_140 = vector.load %arg2[%get3A_137, %get3A_138, %get3A_139] : memref<4x392x128xf32, #tpu.memory_space<vmem>>, vector<1x392x128xf32>
    %get3A_141 = vector.shape_cast %get3A_140 : vector<1x392x128xf32> to vector<392x128xf32>
    %logistic3A_142 = arith.negf %get3A_141 : vector<392x128xf32>
    %logistic3A_143 = math.exp %logistic3A_142 : vector<392x128xf32>
    %logistic3A_144 = arith.constant 1.000000e+00 : f32
    %logistic3A_145 = vector.broadcast %logistic3A_144 : f32 to vector<392x128xf32>
    %logistic3A_146 = arith.addf %logistic3A_145, %logistic3A_143 : vector<392x128xf32>
    %logistic3A_147 = arith.divf %logistic3A_145, %logistic3A_146 : vector<392x128xf32>
    %mul3A_148 = arith.mulf %logistic3A_136, %logistic3A_147 : vector<392x128xf32>
    %lt3A = arith.constant 50000 : i32
    %lt3A_149 = vector.broadcast %lt3A : i32 to vector<392x128xi32>
    %lt3A_150 = arith.cmpi slt, %add3A, %lt3A_149 : vector<392x128xi32>
    %jit3A = arith.constant -1.000000e+00 : f32
    %broadcast_in_dim3A = vector.broadcast %jit3A : f32 to vector<392x128xf32>
    %select_n3A = arith.select %lt3A_150, %mul3A_148, %broadcast_in_dim3A : vector<392x128xi1>, vector<392x128xf32>
    %swap3A = arith.constant 0 : index
    %swap3A_151 = arith.constant 0 : index
    %swap3A_152 = arith.constant 0 : index
    %swap3A_153 = vector.load %arg7[%swap3A, %swap3A_151, %swap3A_152] : memref<4x392x128xf32, #tpu.memory_space<vmem>>, vector<1x392x128xf32>
    %swap3A_154 = vector.shape_cast %swap3A_153 : vector<1x392x128xf32> to vector<392x128xf32>
    %swap3A_155 = vector.shape_cast %select_n3A : vector<392x128xf32> to vector<1x392x128xf32>
    tpu.vector_store %arg7[%swap3A, %swap3A_151, %swap3A_152], %swap3A_155 {strides = array<i32>} : memref<4x392x128xf32, #tpu.memory_space<vmem>>, vector<1x392x128xf32>,
    %reshape3A = vector.shape_cast %select_n3A : vector<392x128xf32> to vector<49x8x128xf32>
    %reduce_max3A = arith.constant dense<0xFF800000> : vector<49x128xf32>
    %reduce_max3A_156 = vector.multi_reduction <maximumf>, %reshape3A, %reduce_max3A [1] : vector<49x8x128xf32> to vector<49x128xf32>
    %swap3A_157 = arith.constant 0 : index
    %swap3A_158 = arith.constant 0 : index
    %swap3A_159 = arith.constant 0 : index
    %swap3A_160 = vector.load %arg8[%swap3A_157, %swap3A_158, %swap3A_159] : memref<4x49x128xf32, #tpu.memory_space<vmem>>, vector<1x49x128xf32>
    %swap3A_161 = vector.shape_cast %swap3A_160 : vector<1x49x128xf32> to vector<49x128xf32>
    %swap3A_162 = vector.shape_cast %reduce_max3A_156 : vector<49x128xf32> to vector<1x49x128xf32>
    tpu.vector_store %arg8[%swap3A_157, %swap3A_158, %swap3A_159], %swap3A_162 {strides = array<i32>} : memref<4x49x128xf32, #tpu.memory_space<vmem>>, vector<1x49x128xf32>,
    %get3A_163 = arith.constant 1 : index
    %get3A_164 = arith.constant 0 : index
    %get3A_165 = arith.constant 0 : index
    %get3A_166 = arith.constant 0 : index
    %get3A_167 = vector.load %arg1[%get3A_163, %get3A_164, %get3A_165, %get3A_166] : memref<4x18x392x128xf32, #tpu.memory_space<vmem>>, vector<1x1x392x128xf32>
    %get3A_168 = vector.shape_cast %get3A_167 : vector<1x1x392x128xf32> to vector<392x128xf32>
    %get3A_169 = arith.constant 1 : index
    %get3A_170 = arith.constant 1 : index
    %get3A_171 = arith.constant 0 : index
    %get3A_172 = arith.constant 0 : index
    %get3A_173 = vector.load %arg1[%get3A_169, %get3A_170, %get3A_171, %get3A_172] : memref<4x18x392x128xf32, #tpu.memory_space<vmem>>, vector<1x1x392x128xf32>
    %get3A_174 = vector.shape_cast %get3A_173 : vector<1x1x392x128xf32> to vector<392x128xf32>
    %max3A_175 = arith.maximumf %get3A_168, %get3A_174 : vector<392x128xf32>
    %get3A_176 = arith.constant 1 : index
    %get3A_177 = arith.constant 2 : index
    %get3A_178 = arith.constant 0 : index
    %get3A_179 = arith.constant 0 : index
    %get3A_180 = vector.load %arg1[%get3A_176, %get3A_177, %get3A_178, %get3A_179] : memref<4x18x392x128xf32, #tpu.memory_space<vmem>>, vector<1x1x392x128xf32>
    %get3A_181 = vector.shape_cast %get3A_180 : vector<1x1x392x128xf32> to vector<392x128xf32>
    %max3A_182 = arith.maximumf %max3A_175, %get3A_181 : vector<392x128xf32>
    %get3A_183 = arith.constant 1 : index
    %get3A_184 = arith.constant 3 : index
    %get3A_185 = arith.constant 0 : index
    %get3A_186 = arith.constant 0 : index
    %get3A_187 = vector.load %arg1[%get3A_183, %get3A_184, %get3A_185, %get3A_186] : memref<4x18x392x128xf32, #tpu.memory_space<vmem>>, vector<1x1x392x128xf32>
    %get3A_188 = vector.shape_cast %get3A_187 : vector<1x1x392x128xf32> to vector<392x128xf32>
    %max3A_189 = arith.maximumf %max3A_182, %get3A_188 : vector<392x128xf32>
    %get3A_190 = arith.constant 1 : index
    %get3A_191 = arith.constant 4 : index
    %get3A_192 = arith.constant 0 : index
    %get3A_193 = arith.constant 0 : index
    %get3A_194 = vector.load %arg1[%get3A_190, %get3A_191, %get3A_192, %get3A_193] : memref<4x18x392x128xf32, #tpu.memory_space<vmem>>, vector<1x1x392x128xf32>
    %get3A_195 = vector.shape_cast %get3A_194 : vector<1x1x392x128xf32> to vector<392x128xf32>
    %max3A_196 = arith.maximumf %max3A_189, %get3A_195 : vector<392x128xf32>
    %get3A_197 = arith.constant 1 : index
    %get3A_198 = arith.constant 5 : index
    %get3A_199 = arith.constant 0 : index
    %get3A_200 = arith.constant 0 : index
    %get3A_201 = vector.load %arg1[%get3A_197, %get3A_198, %get3A_199, %get3A_200] : memref<4x18x392x128xf32, #tpu.memory_space<vmem>>, vector<1x1x392x128xf32>
    %get3A_202 = vector.shape_cast %get3A_201 : vector<1x1x392x128xf32> to vector<392x128xf32>
    %max3A_203 = arith.maximumf %max3A_196, %get3A_202 : vector<392x128xf32>
    %get3A_204 = arith.constant 1 : index
    %get3A_205 = arith.constant 6 : index
    %get3A_206 = arith.constant 0 : index
    %get3A_207 = arith.constant 0 : index
    %get3A_208 = vector.load %arg1[%get3A_204, %get3A_205, %get3A_206, %get3A_207] : memref<4x18x392x128xf32, #tpu.memory_space<vmem>>, vector<1x1x392x128xf32>
    %get3A_209 = vector.shape_cast %get3A_208 : vector<1x1x392x128xf32> to vector<392x128xf32>
    %max3A_210 = arith.maximumf %max3A_203, %get3A_209 : vector<392x128xf32>
    %get3A_211 = arith.constant 1 : index
    %get3A_212 = arith.constant 7 : index
    %get3A_213 = arith.constant 0 : index
    %get3A_214 = arith.constant 0 : index
    %get3A_215 = vector.load %arg1[%get3A_211, %get3A_212, %get3A_213, %get3A_214] : memref<4x18x392x128xf32, #tpu.memory_space<vmem>>, vector<1x1x392x128xf32>
    %get3A_216 = vector.shape_cast %get3A_215 : vector<1x1x392x128xf32> to vector<392x128xf32>
    %max3A_217 = arith.maximumf %max3A_210, %get3A_216 : vector<392x128xf32>
    %get3A_218 = arith.constant 1 : index
    %get3A_219 = arith.constant 8 : index
    %get3A_220 = arith.constant 0 : index
    %get3A_221 = arith.constant 0 : index
    %get3A_222 = vector.load %arg1[%get3A_218, %get3A_219, %get3A_220, %get3A_221] : memref<4x18x392x128xf32, #tpu.memory_space<vmem>>, vector<1x1x392x128xf32>
    %get3A_223 = vector.shape_cast %get3A_222 : vector<1x1x392x128xf32> to vector<392x128xf32>
    %max3A_224 = arith.maximumf %max3A_217, %get3A_223 : vector<392x128xf32>
    %get3A_225 = arith.constant 1 : index
    %get3A_226 = arith.constant 9 : index
    %get3A_227 = arith.constant 0 : index
    %get3A_228 = arith.constant 0 : index
    %get3A_229 = vector.load %arg1[%get3A_225, %get3A_226, %get3A_227, %get3A_228] : memref<4x18x392x128xf32, #tpu.memory_space<vmem>>, vector<1x1x392x128xf32>
    %get3A_230 = vector.shape_cast %get3A_229 : vector<1x1x392x128xf32> to vector<392x128xf32>
    %max3A_231 = arith.maximumf %max3A_224, %get3A_230 : vector<392x128xf32>
    %get3A_232 = arith.constant 1 : index
    %get3A_233 = arith.constant 10 : index
    %get3A_234 = arith.constant 0 : index
    %get3A_235 = arith.constant 0 : index
    %get3A_236 = vector.load %arg1[%get3A_232, %get3A_233, %get3A_234, %get3A_235] : memref<4x18x392x128xf32, #tpu.memory_space<vmem>>, vector<1x1x392x128xf32>
    %get3A_237 = vector.shape_cast %get3A_236 : vector<1x1x392x128xf32> to vector<392x128xf32>
    %max3A_238 = arith.maximumf %max3A_231, %get3A_237 : vector<392x128xf32>
    %get3A_239 = arith.constant 1 : index
    %get3A_240 = arith.constant 11 : index
    %get3A_241 = arith.constant 0 : index
    %get3A_242 = arith.constant 0 : index
    %get3A_243 = vector.load %arg1[%get3A_239, %get3A_240, %get3A_241, %get3A_242] : memref<4x18x392x128xf32, #tpu.memory_space<vmem>>, vector<1x1x392x128xf32>
    %get3A_244 = vector.shape_cast %get3A_243 : vector<1x1x392x128xf32> to vector<392x128xf32>
    %max3A_245 = arith.maximumf %max3A_238, %get3A_244 : vector<392x128xf32>
    %get3A_246 = arith.constant 1 : index
    %get3A_247 = arith.constant 12 : index
    %get3A_248 = arith.constant 0 : index
    %get3A_249 = arith.constant 0 : index
    %get3A_250 = vector.load %arg1[%get3A_246, %get3A_247, %get3A_248, %get3A_249] : memref<4x18x392x128xf32, #tpu.memory_space<vmem>>, vector<1x1x392x128xf32>
    %get3A_251 = vector.shape_cast %get3A_250 : vector<1x1x392x128xf32> to vector<392x128xf32>
    %max3A_252 = arith.maximumf %max3A_245, %get3A_251 : vector<392x128xf32>
    %get3A_253 = arith.constant 1 : index
    %get3A_254 = arith.constant 13 : index
    %get3A_255 = arith.constant 0 : index
    %get3A_256 = arith.constant 0 : index
    %get3A_257 = vector.load %arg1[%get3A_253, %get3A_254, %get3A_255, %get3A_256] : memref<4x18x392x128xf32, #tpu.memory_space<vmem>>, vector<1x1x392x128xf32>
    %get3A_258 = vector.shape_cast %get3A_257 : vector<1x1x392x128xf32> to vector<392x128xf32>
    %max3A_259 = arith.maximumf %max3A_252, %get3A_258 : vector<392x128xf32>
    %get3A_260 = arith.constant 1 : index
    %get3A_261 = arith.constant 14 : index
    %get3A_262 = arith.constant 0 : index
    %get3A_263 = arith.constant 0 : index
    %get3A_264 = vector.load %arg1[%get3A_260, %get3A_261, %get3A_262, %get3A_263] : memref<4x18x392x128xf32, #tpu.memory_space<vmem>>, vector<1x1x392x128xf32>
    %get3A_265 = vector.shape_cast %get3A_264 : vector<1x1x392x128xf32> to vector<392x128xf32>
    %max3A_266 = arith.maximumf %max3A_259, %get3A_265 : vector<392x128xf32>
    %get3A_267 = arith.constant 1 : index
    %get3A_268 = arith.constant 15 : index
    %get3A_269 = arith.constant 0 : index
    %get3A_270 = arith.constant 0 : index
    %get3A_271 = vector.load %arg1[%get3A_267, %get3A_268, %get3A_269, %get3A_270] : memref<4x18x392x128xf32, #tpu.memory_space<vmem>>, vector<1x1x392x128xf32>
    %get3A_272 = vector.shape_cast %get3A_271 : vector<1x1x392x128xf32> to vector<392x128xf32>
    %max3A_273 = arith.maximumf %max3A_266, %get3A_272 : vector<392x128xf32>
    %get3A_274 = arith.constant 1 : index
    %get3A_275 = arith.constant 16 : index
    %get3A_276 = arith.constant 0 : index
    %get3A_277 = arith.constant 0 : index
    %get3A_278 = vector.load %arg1[%get3A_274, %get3A_275, %get3A_276, %get3A_277] : memref<4x18x392x128xf32, #tpu.memory_space<vmem>>, vector<1x1x392x128xf32>
    %get3A_279 = vector.shape_cast %get3A_278 : vector<1x1x392x128xf32> to vector<392x128xf32>
    %max3A_280 = arith.maximumf %max3A_273, %get3A_279 : vector<392x128xf32>
    %get3A_281 = arith.constant 1 : index
    %get3A_282 = arith.constant 17 : index
    %get3A_283 = arith.constant 0 : index
    %get3A_284 = arith.constant 0 : index
    %get3A_285 = vector.load %arg1[%get3A_281, %get3A_282, %get3A_283, %get3A_284] : memref<4x18x392x128xf32, #tpu.memory_space<vmem>>, vector<1x1x392x128xf32>
    %get3A_286 = vector.shape_cast %get3A_285 : vector<1x1x392x128xf32> to vector<392x128xf32>
    %max3A_287 = arith.maximumf %max3A_280, %get3A_286 : vector<392x128xf32>
    %logistic3A_288 = arith.negf %max3A_287 : vector<392x128xf32>
    %logistic3A_289 = math.exp %logistic3A_288 : vector<392x128xf32>
    %logistic3A_290 = arith.constant 1.000000e+00 : f32
    %logistic3A_291 = vector.broadcast %logistic3A_290 : f32 to vector<392x128xf32>
    %logistic3A_292 = arith.addf %logistic3A_291, %logistic3A_289 : vector<392x128xf32>
    %logistic3A_293 = arith.divf %logistic3A_291, %logistic3A_292 : vector<392x128xf32>
    %get3A_294 = arith.constant 1 : index
    %get3A_295 = arith.constant 0 : index
    %get3A_296 = arith.constant 0 : index
    %get3A_297 = vector.load %arg2[%get3A_294, %get3A_295, %get3A_296] : memref<4x392x128xf32, #tpu.memory_space<vmem>>, vector<1x392x128xf32>
    %get3A_298 = vector.shape_cast %get3A_297 : vector<1x392x128xf32> to vector<392x128xf32>
    %logistic3A_299 = arith.negf %get3A_298 : vector<392x128xf32>
    %logistic3A_300 = math.exp %logistic3A_299 : vector<392x128xf32>
    %logistic3A_301 = arith.constant 1.000000e+00 : f32
    %logistic3A_302 = vector.broadcast %logistic3A_301 : f32 to vector<392x128xf32>
    %logistic3A_303 = arith.addf %logistic3A_302, %logistic3A_300 : vector<392x128xf32>
    %logistic3A_304 = arith.divf %logistic3A_302, %logistic3A_303 : vector<392x128xf32>
    %mul3A_305 = arith.mulf %logistic3A_293, %logistic3A_304 : vector<392x128xf32>
    %lt3A_306 = arith.constant 50000 : i32
    %lt3A_307 = vector.broadcast %lt3A_306 : i32 to vector<392x128xi32>
    %lt3A_308 = arith.cmpi slt, %add3A, %lt3A_307 : vector<392x128xi32>
    %jit3A_309 = arith.constant -1.000000e+00 : f32
    %broadcast_in_dim3A_310 = vector.broadcast %jit3A_309 : f32 to vector<392x128xf32>
    %select_n3A_311 = arith.select %lt3A_308, %mul3A_305, %broadcast_in_dim3A_310 : vector<392x128xi1>, vector<392x128xf32>
    %swap3A_312 = arith.constant 1 : index
    %swap3A_313 = arith.constant 0 : index
    %swap3A_314 = arith.constant 0 : index
    %swap3A_315 = vector.load %arg7[%swap3A_312, %swap3A_313, %swap3A_314] : memref<4x392x128xf32, #tpu.memory_space<vmem>>, vector<1x392x128xf32>
    %swap3A_316 = vector.shape_cast %swap3A_315 : vector<1x392x128xf32> to vector<392x128xf32>
    %swap3A_317 = vector.shape_cast %select_n3A_311 : vector<392x128xf32> to vector<1x392x128xf32>
    tpu.vector_store %arg7[%swap3A_312, %swap3A_313, %swap3A_314], %swap3A_317 {strides = array<i32>} : memref<4x392x128xf32, #tpu.memory_space<vmem>>, vector<1x392x128xf32>,
    %reshape3A_318 = vector.shape_cast %select_n3A_311 : vector<392x128xf32> to vector<49x8x128xf32>
    %reduce_max3A_319 = arith.constant dense<0xFF800000> : vector<49x128xf32>
    %reduce_max3A_320 = vector.multi_reduction <maximumf>, %reshape3A_318, %reduce_max3A_319 [1] : vector<49x8x128xf32> to vector<49x128xf32>
    %swap3A_321 = arith.constant 1 : index
    %swap3A_322 = arith.constant 0 : index
    %swap3A_323 = arith.constant 0 : index
    %swap3A_324 = vector.load %arg8[%swap3A_321, %swap3A_322, %swap3A_323] : memref<4x49x128xf32, #tpu.memory_space<vmem>>, vector<1x49x128xf32>
    %swap3A_325 = vector.shape_cast %swap3A_324 : vector<1x49x128xf32> to vector<49x128xf32>
    %swap3A_326 = vector.shape_cast %reduce_max3A_320 : vector<49x128xf32> to vector<1x49x128xf32>
    tpu.vector_store %arg8[%swap3A_321, %swap3A_322, %swap3A_323], %swap3A_326 {strides = array<i32>} : memref<4x49x128xf32, #tpu.memory_space<vmem>>, vector<1x49x128xf32>,
    %get3A_327 = arith.constant 2 : index
    %get3A_328 = arith.constant 0 : index
    %get3A_329 = arith.constant 0 : index
    %get3A_330 = arith.constant 0 : index
    %get3A_331 = vector.load %arg1[%get3A_327, %get3A_328, %get3A_329, %get3A_330] : memref<4x18x392x128xf32, #tpu.memory_space<vmem>>, vector<1x1x392x128xf32>
    %get3A_332 = vector.shape_cast %get3A_331 : vector<1x1x392x128xf32> to vector<392x128xf32>
    %get3A_333 = arith.constant 2 : index
    %get3A_334 = arith.constant 1 : index
    %get3A_335 = arith.constant 0 : index
    %get3A_336 = arith.constant 0 : index
    %get3A_337 = vector.load %arg1[%get3A_333, %get3A_334, %get3A_335, %get3A_336] : memref<4x18x392x128xf32, #tpu.memory_space<vmem>>, vector<1x1x392x128xf32>
    %get3A_338 = vector.shape_cast %get3A_337 : vector<1x1x392x128xf32> to vector<392x128xf32>
    %max3A_339 = arith.maximumf %get3A_332, %get3A_338 : vector<392x128xf32>
    %get3A_340 = arith.constant 2 : index
    %get3A_341 = arith.constant 2 : index
    %get3A_342 = arith.constant 0 : index
    %get3A_343 = arith.constant 0 : index
    %get3A_344 = vector.load %arg1[%get3A_340, %get3A_341, %get3A_342, %get3A_343] : memref<4x18x392x128xf32, #tpu.memory_space<vmem>>, vector<1x1x392x128xf32>
    %get3A_345 = vector.shape_cast %get3A_344 : vector<1x1x392x128xf32> to vector<392x128xf32>
    %max3A_346 = arith.maximumf %max3A_339, %get3A_345 : vector<392x128xf32>
    %get3A_347 = arith.constant 2 : index
    %get3A_348 = arith.constant 3 : index
    %get3A_349 = arith.constant 0 : index
    %get3A_350 = arith.constant 0 : index
    %get3A_351 = vector.load %arg1[%get3A_347, %get3A_348, %get3A_349, %get3A_350] : memref<4x18x392x128xf32, #tpu.memory_space<vmem>>, vector<1x1x392x128xf32>
    %get3A_352 = vector.shape_cast %get3A_351 : vector<1x1x392x128xf32> to vector<392x128xf32>
    %max3A_353 = arith.maximumf %max3A_346, %get3A_352 : vector<392x128xf32>
    %get3A_354 = arith.constant 2 : index
    %get3A_355 = arith.constant 4 : index
    %get3A_356 = arith.constant 0 : index
    %get3A_357 = arith.constant 0 : index
    %get3A_358 = vector.load %arg1[%get3A_354, %get3A_355, %get3A_356, %get3A_357] : memref<4x18x392x128xf32, #tpu.memory_space<vmem>>, vector<1x1x392x128xf32>
    %get3A_359 = vector.shape_cast %get3A_358 : vector<1x1x392x128xf32> to vector<392x128xf32>
    %max3A_360 = arith.maximumf %max3A_353, %get3A_359 : vector<392x128xf32>
    %get3A_361 = arith.constant 2 : index
    %get3A_362 = arith.constant 5 : index
    %get3A_363 = arith.constant 0 : index
    %get3A_364 = arith.constant 0 : index
    %get3A_365 = vector.load %arg1[%get3A_361, %get3A_362, %get3A_363, %get3A_364] : memref<4x18x392x128xf32, #tpu.memory_space<vmem>>, vector<1x1x392x128xf32>
    %get3A_366 = vector.shape_cast %get3A_365 : vector<1x1x392x128xf32> to vector<392x128xf32>
    %max3A_367 = arith.maximumf %max3A_360, %get3A_366 : vector<392x128xf32>
    %get3A_368 = arith.constant 2 : index
    %get3A_369 = arith.constant 6 : index
    %get3A_370 = arith.constant 0 : index
    %get3A_371 = arith.constant 0 : index
    %get3A_372 = vector.load %arg1[%get3A_368, %get3A_369, %get3A_370, %get3A_371] : memref<4x18x392x128xf32, #tpu.memory_space<vmem>>, vector<1x1x392x128xf32>
    %get3A_373 = vector.shape_cast %get3A_372 : vector<1x1x392x128xf32> to vector<392x128xf32>
    %max3A_374 = arith.maximumf %max3A_367, %get3A_373 : vector<392x128xf32>
    %get3A_375 = arith.constant 2 : index
    %get3A_376 = arith.constant 7 : index
    %get3A_377 = arith.constant 0 : index
    %get3A_378 = arith.constant 0 : index
    %get3A_379 = vector.load %arg1[%get3A_375, %get3A_376, %get3A_377, %get3A_378] : memref<4x18x392x128xf32, #tpu.memory_space<vmem>>, vector<1x1x392x128xf32>
    %get3A_380 = vector.shape_cast %get3A_379 : vector<1x1x392x128xf32> to vector<392x128xf32>
    %max3A_381 = arith.maximumf %max3A_374, %get3A_380 : vector<392x128xf32>
    %get3A_382 = arith.constant 2 : index
    %get3A_383 = arith.constant 8 : index
    %get3A_384 = arith.constant 0 : index
    %get3A_385 = arith.constant 0 : index
    %get3A_386 = vector.load %arg1[%get3A_382, %get3A_383, %get3A_384, %get3A_385] : memref<4x18x392x128xf32, #tpu.memory_space<vmem>>, vector<1x1x392x128xf32>
    %get3A_387 = vector.shape_cast %get3A_386 : vector<1x1x392x128xf32> to vector<392x128xf32>
    %max3A_388 = arith.maximumf %max3A_381, %get3A_387 : vector<392x128xf32>
    %get3A_389 = arith.constant 2 : index
    %get3A_390 = arith.constant 9 : index
    %get3A_391 = arith.constant 0 : index
    %get3A_392 = arith.constant 0 : index
    %get3A_393 = vector.load %arg1[%get3A_389, %get3A_390, %get3A_391, %get3A_392] : memref<4x18x392x128xf32, #tpu.memory_space<vmem>>, vector<1x1x392x128xf32>
    %get3A_394 = vector.shape_cast %get3A_393 : vector<1x1x392x128xf32> to vector<392x128xf32>
    %max3A_395 = arith.maximumf %max3A_388, %get3A_394 : vector<392x128xf32>
    %get3A_396 = arith.constant 2 : index
    %get3A_397 = arith.constant 10 : index
    %get3A_398 = arith.constant 0 : index
    %get3A_399 = arith.constant 0 : index
    %get3A_400 = vector.load %arg1[%get3A_396, %get3A_397, %get3A_398, %get3A_399] : memref<4x18x392x128xf32, #tpu.memory_space<vmem>>, vector<1x1x392x128xf32>
    %get3A_401 = vector.shape_cast %get3A_400 : vector<1x1x392x128xf32> to vector<392x128xf32>
    %max3A_402 = arith.maximumf %max3A_395, %get3A_401 : vector<392x128xf32>
    %get3A_403 = arith.constant 2 : index
    %get3A_404 = arith.constant 11 : index
    %get3A_405 = arith.constant 0 : index
    %get3A_406 = arith.constant 0 : index
    %get3A_407 = vector.load %arg1[%get3A_403, %get3A_404, %get3A_405, %get3A_406] : memref<4x18x392x128xf32, #tpu.memory_space<vmem>>, vector<1x1x392x128xf32>
    %get3A_408 = vector.shape_cast %get3A_407 : vector<1x1x392x128xf32> to vector<392x128xf32>
    %max3A_409 = arith.maximumf %max3A_402, %get3A_408 : vector<392x128xf32>
    %get3A_410 = arith.constant 2 : index
    %get3A_411 = arith.constant 12 : index
    %get3A_412 = arith.constant 0 : index
    %get3A_413 = arith.constant 0 : index
    %get3A_414 = vector.load %arg1[%get3A_410, %get3A_411, %get3A_412, %get3A_413] : memref<4x18x392x128xf32, #tpu.memory_space<vmem>>, vector<1x1x392x128xf32>
    %get3A_415 = vector.shape_cast %get3A_414 : vector<1x1x392x128xf32> to vector<392x128xf32>
    %max3A_416 = arith.maximumf %max3A_409, %get3A_415 : vector<392x128xf32>
    %get3A_417 = arith.constant 2 : index
    %get3A_418 = arith.constant 13 : index
    %get3A_419 = arith.constant 0 : index
    %get3A_420 = arith.constant 0 : index
    %get3A_421 = vector.load %arg1[%get3A_417, %get3A_418, %get3A_419, %get3A_420] : memref<4x18x392x128xf32, #tpu.memory_space<vmem>>, vector<1x1x392x128xf32>
    %get3A_422 = vector.shape_cast %get3A_421 : vector<1x1x392x128xf32> to vector<392x128xf32>
    %max3A_423 = arith.maximumf %max3A_416, %get3A_422 : vector<392x128xf32>
    %get3A_424 = arith.constant 2 : index
    %get3A_425 = arith.constant 14 : index
    %get3A_426 = arith.constant 0 : index
    %get3A_427 = arith.constant 0 : index
    %get3A_428 = vector.load %arg1[%get3A_424, %get3A_425, %get3A_426, %get3A_427] : memref<4x18x392x128xf32, #tpu.memory_space<vmem>>, vector<1x1x392x128xf32>
    %get3A_429 = vector.shape_cast %get3A_428 : vector<1x1x392x128xf32> to vector<392x128xf32>
    %max3A_430 = arith.maximumf %max3A_423, %get3A_429 : vector<392x128xf32>
    %get3A_431 = arith.constant 2 : index
    %get3A_432 = arith.constant 15 : index
    %get3A_433 = arith.constant 0 : index
    %get3A_434 = arith.constant 0 : index
    %get3A_435 = vector.load %arg1[%get3A_431, %get3A_432, %get3A_433, %get3A_434] : memref<4x18x392x128xf32, #tpu.memory_space<vmem>>, vector<1x1x392x128xf32>
    %get3A_436 = vector.shape_cast %get3A_435 : vector<1x1x392x128xf32> to vector<392x128xf32>
    %max3A_437 = arith.maximumf %max3A_430, %get3A_436 : vector<392x128xf32>
    %get3A_438 = arith.constant 2 : index
    %get3A_439 = arith.constant 16 : index
    %get3A_440 = arith.constant 0 : index
    %get3A_441 = arith.constant 0 : index
    %get3A_442 = vector.load %arg1[%get3A_438, %get3A_439, %get3A_440, %get3A_441] : memref<4x18x392x128xf32, #tpu.memory_space<vmem>>, vector<1x1x392x128xf32>
    %get3A_443 = vector.shape_cast %get3A_442 : vector<1x1x392x128xf32> to vector<392x128xf32>
    %max3A_444 = arith.maximumf %max3A_437, %get3A_443 : vector<392x128xf32>
    %get3A_445 = arith.constant 2 : index
    %get3A_446 = arith.constant 17 : index
    %get3A_447 = arith.constant 0 : index
    %get3A_448 = arith.constant 0 : index
    %get3A_449 = vector.load %arg1[%get3A_445, %get3A_446, %get3A_447, %get3A_448] : memref<4x18x392x128xf32, #tpu.memory_space<vmem>>, vector<1x1x392x128xf32>
    %get3A_450 = vector.shape_cast %get3A_449 : vector<1x1x392x128xf32> to vector<392x128xf32>
    %max3A_451 = arith.maximumf %max3A_444, %get3A_450 : vector<392x128xf32>
    %logistic3A_452 = arith.negf %max3A_451 : vector<392x128xf32>
    %logistic3A_453 = math.exp %logistic3A_452 : vector<392x128xf32>
    %logistic3A_454 = arith.constant 1.000000e+00 : f32
    %logistic3A_455 = vector.broadcast %logistic3A_454 : f32 to vector<392x128xf32>
    %logistic3A_456 = arith.addf %logistic3A_455, %logistic3A_453 : vector<392x128xf32>
    %logistic3A_457 = arith.divf %logistic3A_455, %logistic3A_456 : vector<392x128xf32>
    %get3A_458 = arith.constant 2 : index
    %get3A_459 = arith.constant 0 : index
    %get3A_460 = arith.constant 0 : index
    %get3A_461 = vector.load %arg2[%get3A_458, %get3A_459, %get3A_460] : memref<4x392x128xf32, #tpu.memory_space<vmem>>, vector<1x392x128xf32>
    %get3A_462 = vector.shape_cast %get3A_461 : vector<1x392x128xf32> to vector<392x128xf32>
    %logistic3A_463 = arith.negf %get3A_462 : vector<392x128xf32>
    %logistic3A_464 = math.exp %logistic3A_463 : vector<392x128xf32>
    %logistic3A_465 = arith.constant 1.000000e+00 : f32
    %logistic3A_466 = vector.broadcast %logistic3A_465 : f32 to vector<392x128xf32>
    %logistic3A_467 = arith.addf %logistic3A_466, %logistic3A_464 : vector<392x128xf32>
    %logistic3A_468 = arith.divf %logistic3A_466, %logistic3A_467 : vector<392x128xf32>
    %mul3A_469 = arith.mulf %logistic3A_457, %logistic3A_468 : vector<392x128xf32>
    %lt3A_470 = arith.constant 50000 : i32
    %lt3A_471 = vector.broadcast %lt3A_470 : i32 to vector<392x128xi32>
    %lt3A_472 = arith.cmpi slt, %add3A, %lt3A_471 : vector<392x128xi32>
    %jit3A_473 = arith.constant -1.000000e+00 : f32
    %broadcast_in_dim3A_474 = vector.broadcast %jit3A_473 : f32 to vector<392x128xf32>
    %select_n3A_475 = arith.select %lt3A_472, %mul3A_469, %broadcast_in_dim3A_474 : vector<392x128xi1>, vector<392x128xf32>
    %swap3A_476 = arith.constant 2 : index
    %swap3A_477 = arith.constant 0 : index
    %swap3A_478 = arith.constant 0 : index
    %swap3A_479 = vector.load %arg7[%swap3A_476, %swap3A_477, %swap3A_478] : memref<4x392x128xf32, #tpu.memory_space<vmem>>, vector<1x392x128xf32>
    %swap3A_480 = vector.shape_cast %swap3A_479 : vector<1x392x128xf32> to vector<392x128xf32>
    %swap3A_481 = vector.shape_cast %select_n3A_475 : vector<392x128xf32> to vector<1x392x128xf32>
    tpu.vector_store %arg7[%swap3A_476, %swap3A_477, %swap3A_478], %swap3A_481 {strides = array<i32>} : memref<4x392x128xf32, #tpu.memory_space<vmem>>, vector<1x392x128xf32>,
    %reshape3A_482 = vector.shape_cast %select_n3A_475 : vector<392x128xf32> to vector<49x8x128xf32>
    %reduce_max3A_483 = arith.constant dense<0xFF800000> : vector<49x128xf32>
    %reduce_max3A_484 = vector.multi_reduction <maximumf>, %reshape3A_482, %reduce_max3A_483 [1] : vector<49x8x128xf32> to vector<49x128xf32>
    %swap3A_485 = arith.constant 2 : index
    %swap3A_486 = arith.constant 0 : index
    %swap3A_487 = arith.constant 0 : index
    %swap3A_488 = vector.load %arg8[%swap3A_485, %swap3A_486, %swap3A_487] : memref<4x49x128xf32, #tpu.memory_space<vmem>>, vector<1x49x128xf32>
    %swap3A_489 = vector.shape_cast %swap3A_488 : vector<1x49x128xf32> to vector<49x128xf32>
    %swap3A_490 = vector.shape_cast %reduce_max3A_484 : vector<49x128xf32> to vector<1x49x128xf32>
    tpu.vector_store %arg8[%swap3A_485, %swap3A_486, %swap3A_487], %swap3A_490 {strides = array<i32>} : memref<4x49x128xf32, #tpu.memory_space<vmem>>, vector<1x49x128xf32>,
    %get3A_491 = arith.constant 3 : index
    %get3A_492 = arith.constant 0 : index
    %get3A_493 = arith.constant 0 : index
    %get3A_494 = arith.constant 0 : index
    %get3A_495 = vector.load %arg1[%get3A_491, %get3A_492, %get3A_493, %get3A_494] : memref<4x18x392x128xf32, #tpu.memory_space<vmem>>, vector<1x1x392x128xf32>
    %get3A_496 = vector.shape_cast %get3A_495 : vector<1x1x392x128xf32> to vector<392x128xf32>
    %get3A_497 = arith.constant 3 : index
    %get3A_498 = arith.constant 1 : index
    %get3A_499 = arith.constant 0 : index
    %get3A_500 = arith.constant 0 : index
    %get3A_501 = vector.load %arg1[%get3A_497, %get3A_498, %get3A_499, %get3A_500] : memref<4x18x392x128xf32, #tpu.memory_space<vmem>>, vector<1x1x392x128xf32>
    %get3A_502 = vector.shape_cast %get3A_501 : vector<1x1x392x128xf32> to vector<392x128xf32>
    %max3A_503 = arith.maximumf %get3A_496, %get3A_502 : vector<392x128xf32>
    %get3A_504 = arith.constant 3 : index
    %get3A_505 = arith.constant 2 : index
    %get3A_506 = arith.constant 0 : index
    %get3A_507 = arith.constant 0 : index
    %get3A_508 = vector.load %arg1[%get3A_504, %get3A_505, %get3A_506, %get3A_507] : memref<4x18x392x128xf32, #tpu.memory_space<vmem>>, vector<1x1x392x128xf32>
    %get3A_509 = vector.shape_cast %get3A_508 : vector<1x1x392x128xf32> to vector<392x128xf32>
    %max3A_510 = arith.maximumf %max3A_503, %get3A_509 : vector<392x128xf32>
    %get3A_511 = arith.constant 3 : index
    %get3A_512 = arith.constant 3 : index
    %get3A_513 = arith.constant 0 : index
    %get3A_514 = arith.constant 0 : index
    %get3A_515 = vector.load %arg1[%get3A_511, %get3A_512, %get3A_513, %get3A_514] : memref<4x18x392x128xf32, #tpu.memory_space<vmem>>, vector<1x1x392x128xf32>
    %get3A_516 = vector.shape_cast %get3A_515 : vector<1x1x392x128xf32> to vector<392x128xf32>
    %max3A_517 = arith.maximumf %max3A_510, %get3A_516 : vector<392x128xf32>
    %get3A_518 = arith.constant 3 : index
    %get3A_519 = arith.constant 4 : index
    %get3A_520 = arith.constant 0 : index
    %get3A_521 = arith.constant 0 : index
    %get3A_522 = vector.load %arg1[%get3A_518, %get3A_519, %get3A_520, %get3A_521] : memref<4x18x392x128xf32, #tpu.memory_space<vmem>>, vector<1x1x392x128xf32>
    %get3A_523 = vector.shape_cast %get3A_522 : vector<1x1x392x128xf32> to vector<392x128xf32>
    %max3A_524 = arith.maximumf %max3A_517, %get3A_523 : vector<392x128xf32>
    %get3A_525 = arith.constant 3 : index
    %get3A_526 = arith.constant 5 : index
    %get3A_527 = arith.constant 0 : index
    %get3A_528 = arith.constant 0 : index
    %get3A_529 = vector.load %arg1[%get3A_525, %get3A_526, %get3A_527, %get3A_528] : memref<4x18x392x128xf32, #tpu.memory_space<vmem>>, vector<1x1x392x128xf32>
    %get3A_530 = vector.shape_cast %get3A_529 : vector<1x1x392x128xf32> to vector<392x128xf32>
    %max3A_531 = arith.maximumf %max3A_524, %get3A_530 : vector<392x128xf32>
    %get3A_532 = arith.constant 3 : index
    %get3A_533 = arith.constant 6 : index
    %get3A_534 = arith.constant 0 : index
    %get3A_535 = arith.constant 0 : index
    %get3A_536 = vector.load %arg1[%get3A_532, %get3A_533, %get3A_534, %get3A_535] : memref<4x18x392x128xf32, #tpu.memory_space<vmem>>, vector<1x1x392x128xf32>
    %get3A_537 = vector.shape_cast %get3A_536 : vector<1x1x392x128xf32> to vector<392x128xf32>
    %max3A_538 = arith.maximumf %max3A_531, %get3A_537 : vector<392x128xf32>
    %get3A_539 = arith.constant 3 : index
    %get3A_540 = arith.constant 7 : index
    %get3A_541 = arith.constant 0 : index
    %get3A_542 = arith.constant 0 : index
    %get3A_543 = vector.load %arg1[%get3A_539, %get3A_540, %get3A_541, %get3A_542] : memref<4x18x392x128xf32, #tpu.memory_space<vmem>>, vector<1x1x392x128xf32>
    %get3A_544 = vector.shape_cast %get3A_543 : vector<1x1x392x128xf32> to vector<392x128xf32>
    %max3A_545 = arith.maximumf %max3A_538, %get3A_544 : vector<392x128xf32>
    %get3A_546 = arith.constant 3 : index
    %get3A_547 = arith.constant 8 : index
    %get3A_548 = arith.constant 0 : index
    %get3A_549 = arith.constant 0 : index
    %get3A_550 = vector.load %arg1[%get3A_546, %get3A_547, %get3A_548, %get3A_549] : memref<4x18x392x128xf32, #tpu.memory_space<vmem>>, vector<1x1x392x128xf32>
    %get3A_551 = vector.shape_cast %get3A_550 : vector<1x1x392x128xf32> to vector<392x128xf32>
    %max3A_552 = arith.maximumf %max3A_545, %get3A_551 : vector<392x128xf32>
    %get3A_553 = arith.constant 3 : index
    %get3A_554 = arith.constant 9 : index
    %get3A_555 = arith.constant 0 : index
    %get3A_556 = arith.constant 0 : index
    %get3A_557 = vector.load %arg1[%get3A_553, %get3A_554, %get3A_555, %get3A_556] : memref<4x18x392x128xf32, #tpu.memory_space<vmem>>, vector<1x1x392x128xf32>
    %get3A_558 = vector.shape_cast %get3A_557 : vector<1x1x392x128xf32> to vector<392x128xf32>
    %max3A_559 = arith.maximumf %max3A_552, %get3A_558 : vector<392x128xf32>
    %get3A_560 = arith.constant 3 : index
    %get3A_561 = arith.constant 10 : index
    %get3A_562 = arith.constant 0 : index
    %get3A_563 = arith.constant 0 : index
    %get3A_564 = vector.load %arg1[%get3A_560, %get3A_561, %get3A_562, %get3A_563] : memref<4x18x392x128xf32, #tpu.memory_space<vmem>>, vector<1x1x392x128xf32>
    %get3A_565 = vector.shape_cast %get3A_564 : vector<1x1x392x128xf32> to vector<392x128xf32>
    %max3A_566 = arith.maximumf %max3A_559, %get3A_565 : vector<392x128xf32>
    %get3A_567 = arith.constant 3 : index
    %get3A_568 = arith.constant 11 : index
    %get3A_569 = arith.constant 0 : index
    %get3A_570 = arith.constant 0 : index
    %get3A_571 = vector.load %arg1[%get3A_567, %get3A_568, %get3A_569, %get3A_570] : memref<4x18x392x128xf32, #tpu.memory_space<vmem>>, vector<1x1x392x128xf32>
    %get3A_572 = vector.shape_cast %get3A_571 : vector<1x1x392x128xf32> to vector<392x128xf32>
    %max3A_573 = arith.maximumf %max3A_566, %get3A_572 : vector<392x128xf32>
    %get3A_574 = arith.constant 3 : index
    %get3A_575 = arith.constant 12 : index
    %get3A_576 = arith.constant 0 : index
    %get3A_577 = arith.constant 0 : index
    %get3A_578 = vector.load %arg1[%get3A_574, %get3A_575, %get3A_576, %get3A_577] : memref<4x18x392x128xf32, #tpu.memory_space<vmem>>, vector<1x1x392x128xf32>
    %get3A_579 = vector.shape_cast %get3A_578 : vector<1x1x392x128xf32> to vector<392x128xf32>
    %max3A_580 = arith.maximumf %max3A_573, %get3A_579 : vector<392x128xf32>
    %get3A_581 = arith.constant 3 : index
    %get3A_582 = arith.constant 13 : index
    %get3A_583 = arith.constant 0 : index
    %get3A_584 = arith.constant 0 : index
    %get3A_585 = vector.load %arg1[%get3A_581, %get3A_582, %get3A_583, %get3A_584] : memref<4x18x392x128xf32, #tpu.memory_space<vmem>>, vector<1x1x392x128xf32>
    %get3A_586 = vector.shape_cast %get3A_585 : vector<1x1x392x128xf32> to vector<392x128xf32>
    %max3A_587 = arith.maximumf %max3A_580, %get3A_586 : vector<392x128xf32>
    %get3A_588 = arith.constant 3 : index
    %get3A_589 = arith.constant 14 : index
    %get3A_590 = arith.constant 0 : index
    %get3A_591 = arith.constant 0 : index
    %get3A_592 = vector.load %arg1[%get3A_588, %get3A_589, %get3A_590, %get3A_591] : memref<4x18x392x128xf32, #tpu.memory_space<vmem>>, vector<1x1x392x128xf32>
    %get3A_593 = vector.shape_cast %get3A_592 : vector<1x1x392x128xf32> to vector<392x128xf32>
    %max3A_594 = arith.maximumf %max3A_587, %get3A_593 : vector<392x128xf32>
    %get3A_595 = arith.constant 3 : index
    %get3A_596 = arith.constant 15 : index
    %get3A_597 = arith.constant 0 : index
    %get3A_598 = arith.constant 0 : index
    %get3A_599 = vector.load %arg1[%get3A_595, %get3A_596, %get3A_597, %get3A_598] : memref<4x18x392x128xf32, #tpu.memory_space<vmem>>, vector<1x1x392x128xf32>
    %get3A_600 = vector.shape_cast %get3A_599 : vector<1x1x392x128xf32> to vector<392x128xf32>
    %max3A_601 = arith.maximumf %max3A_594, %get3A_600 : vector<392x128xf32>
    %get3A_602 = arith.constant 3 : index
    %get3A_603 = arith.constant 16 : index
    %get3A_604 = arith.constant 0 : index
    %get3A_605 = arith.constant 0 : index
    %get3A_606 = vector.load %arg1[%get3A_602, %get3A_603, %get3A_604, %get3A_605] : memref<4x18x392x128xf32, #tpu.memory_space<vmem>>, vector<1x1x392x128xf32>
    %get3A_607 = vector.shape_cast %get3A_606 : vector<1x1x392x128xf32> to vector<392x128xf32>
    %max3A_608 = arith.maximumf %max3A_601, %get3A_607 : vector<392x128xf32>
    %get3A_609 = arith.constant 3 : index
    %get3A_610 = arith.constant 17 : index
    %get3A_611 = arith.constant 0 : index
    %get3A_612 = arith.constant 0 : index
    %get3A_613 = vector.load %arg1[%get3A_609, %get3A_610, %get3A_611, %get3A_612] : memref<4x18x392x128xf32, #tpu.memory_space<vmem>>, vector<1x1x392x128xf32>
    %get3A_614 = vector.shape_cast %get3A_613 : vector<1x1x392x128xf32> to vector<392x128xf32>
    %max3A_615 = arith.maximumf %max3A_608, %get3A_614 : vector<392x128xf32>
    %logistic3A_616 = arith.negf %max3A_615 : vector<392x128xf32>
    %logistic3A_617 = math.exp %logistic3A_616 : vector<392x128xf32>
    %logistic3A_618 = arith.constant 1.000000e+00 : f32
    %logistic3A_619 = vector.broadcast %logistic3A_618 : f32 to vector<392x128xf32>
    %logistic3A_620 = arith.addf %logistic3A_619, %logistic3A_617 : vector<392x128xf32>
    %logistic3A_621 = arith.divf %logistic3A_619, %logistic3A_620 : vector<392x128xf32>
    %get3A_622 = arith.constant 3 : index
    %get3A_623 = arith.constant 0 : index
    %get3A_624 = arith.constant 0 : index
    %get3A_625 = vector.load %arg2[%get3A_622, %get3A_623, %get3A_624] : memref<4x392x128xf32, #tpu.memory_space<vmem>>, vector<1x392x128xf32>
    %get3A_626 = vector.shape_cast %get3A_625 : vector<1x392x128xf32> to vector<392x128xf32>
    %logistic3A_627 = arith.negf %get3A_626 : vector<392x128xf32>
    %logistic3A_628 = math.exp %logistic3A_627 : vector<392x128xf32>
    %logistic3A_629 = arith.constant 1.000000e+00 : f32
    %logistic3A_630 = vector.broadcast %logistic3A_629 : f32 to vector<392x128xf32>
    %logistic3A_631 = arith.addf %logistic3A_630, %logistic3A_628 : vector<392x128xf32>
    %logistic3A_632 = arith.divf %logistic3A_630, %logistic3A_631 : vector<392x128xf32>
    %mul3A_633 = arith.mulf %logistic3A_621, %logistic3A_632 : vector<392x128xf32>
    %lt3A_634 = arith.constant 50000 : i32
    %lt3A_635 = vector.broadcast %lt3A_634 : i32 to vector<392x128xi32>
    %lt3A_636 = arith.cmpi slt, %add3A, %lt3A_635 : vector<392x128xi32>
    %jit3A_637 = arith.constant -1.000000e+00 : f32
    %broadcast_in_dim3A_638 = vector.broadcast %jit3A_637 : f32 to vector<392x128xf32>
    %select_n3A_639 = arith.select %lt3A_636, %mul3A_633, %broadcast_in_dim3A_638 : vector<392x128xi1>, vector<392x128xf32>
    %swap3A_640 = arith.constant 3 : index
    %swap3A_641 = arith.constant 0 : index
    %swap3A_642 = arith.constant 0 : index
    %swap3A_643 = vector.load %arg7[%swap3A_640, %swap3A_641, %swap3A_642] : memref<4x392x128xf32, #tpu.memory_space<vmem>>, vector<1x392x128xf32>
    %swap3A_644 = vector.shape_cast %swap3A_643 : vector<1x392x128xf32> to vector<392x128xf32>
    %swap3A_645 = vector.shape_cast %select_n3A_639 : vector<392x128xf32> to vector<1x392x128xf32>
    tpu.vector_store %arg7[%swap3A_640, %swap3A_641, %swap3A_642], %swap3A_645 {strides = array<i32>} : memref<4x392x128xf32, #tpu.memory_space<vmem>>, vector<1x392x128xf32>,
    %reshape3A_646 = vector.shape_cast %select_n3A_639 : vector<392x128xf32> to vector<49x8x128xf32>
    %reduce_max3A_647 = arith.constant dense<0xFF800000> : vector<49x128xf32>
    %reduce_max3A_648 = vector.multi_reduction <maximumf>, %reshape3A_646, %reduce_max3A_647 [1] : vector<49x8x128xf32> to vector<49x128xf32>
    %swap3A_649 = arith.constant 3 : index
    %swap3A_650 = arith.constant 0 : index
    %swap3A_651 = arith.constant 0 : index
    %swap3A_652 = vector.load %arg8[%swap3A_649, %swap3A_650, %swap3A_651] : memref<4x49x128xf32, #tpu.memory_space<vmem>>, vector<1x49x128xf32>
    %swap3A_653 = vector.shape_cast %swap3A_652 : vector<1x49x128xf32> to vector<49x128xf32>
    %swap3A_654 = vector.shape_cast %reduce_max3A_648 : vector<49x128xf32> to vector<1x49x128xf32>
    tpu.vector_store %arg8[%swap3A_649, %swap3A_650, %swap3A_651], %swap3A_654 {strides = array<i32>} : memref<4x49x128xf32, #tpu.memory_space<vmem>>, vector<1x49x128xf32>,
    %scan3A = arith.constant 0 : i32
    %scan3A_655 = arith.constant 1024 : i32
    %scan3A_656 = arith.addi %scan3A, %scan3A_655 : i32
    %scan3A_657 = arith.constant 1 : i32
    scf.for %scan3A_696 = %scan3A to %scan3A_656 step %scan3A_657  : i32 {
      %jit3A_697 = arith.constant 128 : i32
      %div3A = arith.divsi %scan3A_696, %jit3A_697 : i32
      %sign3A = arith.constant 0 : i32
      %sign3A_698 = arith.cmpi sgt, %scan3A_696, %sign3A : i32
      %sign3A_699 = arith.extui %sign3A_698 : i1 to i32
      %sign3A_700 = arith.constant 0 : i32
      %sign3A_701 = arith.cmpi slt, %scan3A_696, %sign3A_700 : i32
      %sign3A_702 = arith.extui %sign3A_701 : i1 to i32
      %sign3A_703 = arith.subi %sign3A_699, %sign3A_702 : i32
      %sign3A_704 = arith.constant 0 : i32
      %sign3A_705 = arith.cmpi sgt, %jit3A_697, %sign3A_704 : i32
      %sign3A_706 = arith.extui %sign3A_705 : i1 to i32
      %sign3A_707 = arith.constant 0 : i32
      %sign3A_708 = arith.cmpi slt, %jit3A_697, %sign3A_707 : i32
      %sign3A_709 = arith.extui %sign3A_708 : i1 to i32
      %sign3A_710 = arith.subi %sign3A_706, %sign3A_709 : i32
      %ne3A = arith.cmpi ne, %sign3A_703, %sign3A_710 : i32
      %rem3A = arith.remsi %scan3A_696, %jit3A_697 : i32
      %ne3A_711 = arith.constant 0 : i32
      %ne3A_712 = arith.cmpi ne, %rem3A, %ne3A_711 : i32
      %and3A = arith.andi %ne3A, %ne3A_712 : i1
      %sub3A_713 = arith.constant 1 : i32
      %sub3A_714 = arith.subi %div3A, %sub3A_713 : i32
      %select_n3A_715 = arith.select %and3A, %sub3A_714, %div3A : i32
      %jit3A_716 = arith.constant 128 : i32
      %eq3A = arith.constant 0 : i32
      %eq3A_717 = arith.cmpi eq, %jit3A_716, %eq3A : i32
      %jit3A_718 = arith.constant 1 : i32
      %select_n3A_719 = arith.select %eq3A_717, %jit3A_718, %jit3A_716 : i32
      %rem3A_720 = arith.remsi %scan3A_696, %select_n3A_719 : i32
      %ne3A_721 = arith.constant 0 : i32
      %ne3A_722 = arith.cmpi ne, %rem3A_720, %ne3A_721 : i32
      %lt3A_723 = arith.constant 0 : i32
      %lt3A_724 = arith.cmpi slt, %rem3A_720, %lt3A_723 : i32
      %lt3A_725 = arith.constant 0 : i32
      %lt3A_726 = arith.cmpi slt, %select_n3A_719, %lt3A_725 : i32
      %ne3A_727 = arith.xori %lt3A_724, %lt3A_726 : i1
      %and3A_728 = arith.andi %ne3A_727, %ne3A_722 : i1
      %add3A_729 = arith.addi %rem3A_720, %select_n3A_719 : i32
      %select_n3A_730 = arith.select %and3A_728, %add3A_729, %rem3A_720 : i32
      %get3A_731 = arith.constant 0 : index
      %get3A_732 = arith.constant 0 : index
      %get3A_733 = arith.constant 0 : index
      %get3A_734 = vector.load %arg8[%get3A_731, %get3A_732, %get3A_733] : memref<4x49x128xf32, #tpu.memory_space<vmem>>, vector<1x49x128xf32>
      %get3A_735 = vector.shape_cast %get3A_734 : vector<1x49x128xf32> to vector<49x128xf32>
      %reduce_max3A_736 = vector.shape_cast %get3A_735 : vector<49x128xf32> to vector<1x49x128xf32>
      %reduce_max3A_737 = arith.constant dense<0xFF800000> : vector<1xf32>
      %reduce_max3A_738 = vector.multi_reduction <maximumf>, %reduce_max3A_736, %reduce_max3A_737 [1, 2] : vector<1x49x128xf32> to vector<1xf32>
      %reduce_max3A_739 = vector.shape_cast %reduce_max3A_738 : vector<1xf32> to vector<1x1x1xf32>
      %reduce_max3A_740 = vector.extract %reduce_max3A_739[0, 0, 0] : f32 from vector<1x1x1xf32>
      %eq3A_741 = vector.broadcast %reduce_max3A_740 : f32 to vector<49x128xf32>
      %eq3A_742 = arith.cmpf oeq, %get3A_735, %eq3A_741 : vector<49x128xf32>
      %jit3A_743 = arith.constant 1073741824 : i32
      %broadcast_in_dim3A_744 = vector.broadcast %jit3A_743 : i32 to vector<49x128xi32>
      %select_n3A_745 = arith.select %eq3A_742, %iota3A_3, %broadcast_in_dim3A_744 : vector<49x128xi1>, vector<49x128xi32>
      %reduce_min3A = vector.shape_cast %select_n3A_745 : vector<49x128xi32> to vector<1x49x128xi32>
      %reduce_min3A_746 = arith.constant dense<2147483647> : vector<1xi32>
      %reduce_min3A_747 = vector.multi_reduction <minsi>, %reduce_min3A, %reduce_min3A_746 [1, 2] : vector<1x49x128xi32> to vector<1xi32>
      %reduce_min3A_748 = vector.shape_cast %reduce_min3A_747 : vector<1xi32> to vector<1x1x1xi32>
      %reduce_min3A_749 = vector.extract %reduce_min3A_748[0, 0, 0] : i32 from vector<1x1x1xi32>
      %mul3A_750 = arith.constant 8 : i32
      %mul3A_751 = arith.muli %reduce_min3A_749, %mul3A_750 : i32
      %get3A_752 = arith.constant 0 : index
      %get3A_753 = arith.index_cast %mul3A_751 : i32 to index
      %get3A_754 = arith.constant 0 : index
      %get3A_755 = vector.load %arg7[%get3A_752, %get3A_753, %get3A_754] : memref<4x392x128xf32, #tpu.memory_space<vmem>>, vector<1x8x128xf32>
      %get3A_756 = vector.shape_cast %get3A_755 : vector<1x8x128xf32> to vector<8x128xf32>
      %mul3A_757 = arith.constant 8 : i32
      %mul3A_758 = arith.muli %reduce_min3A_749, %mul3A_757 : i32
      %add3A_759 = vector.broadcast %mul3A_758 : i32 to vector<8x128xi32>
      %add3A_760 = arith.addi %iota3A_4, %add3A_759 : vector<8x128xi32>
      %mul3A_761 = arith.constant 128 : i32
      %mul3A_762 = vector.broadcast %mul3A_761 : i32 to vector<8x128xi32>
      %mul3A_763 = arith.muli %add3A_760, %mul3A_762 : vector<8x128xi32>
      %add3A_764 = arith.addi %mul3A_763, %iota3A_5 : vector<8x128xi32>
      %eq3A_765 = vector.broadcast %reduce_max3A_740 : f32 to vector<8x128xf32>
      %eq3A_766 = arith.cmpf oeq, %get3A_756, %eq3A_765 : vector<8x128xf32>
      %jit3A_767 = arith.constant 1073741824 : i32
      %broadcast_in_dim3A_768 = vector.broadcast %jit3A_767 : i32 to vector<8x128xi32>
      %select_n3A_769 = arith.select %eq3A_766, %add3A_764, %broadcast_in_dim3A_768 : vector<8x128xi1>, vector<8x128xi32>
      %reduce_min3A_770 = vector.shape_cast %select_n3A_769 : vector<8x128xi32> to vector<1x8x128xi32>
      %reduce_min3A_771 = arith.constant dense<2147483647> : vector<1xi32>
      %reduce_min3A_772 = vector.multi_reduction <minsi>, %reduce_min3A_770, %reduce_min3A_771 [1, 2] : vector<1x8x128xi32> to vector<1xi32>
      %reduce_min3A_773 = vector.shape_cast %reduce_min3A_772 : vector<1xi32> to vector<1x1x1xi32>
      %reduce_min3A_774 = vector.extract %reduce_min3A_773[0, 0, 0] : i32 from vector<1x1x1xi32>
      %get3A_775 = arith.constant 0 : index
      %get3A_776 = arith.index_cast %select_n3A_715 : i32 to index
      %get3A_777 = arith.constant 0 : index
      %get3A_778 = vector.load %arg4[%get3A_775, %get3A_776, %get3A_777] : memref<4x8x128xi32, #tpu.memory_space<vmem>>, vector<1x1x128xi32>
      %get3A_779 = vector.shape_cast %get3A_778 : vector<1x1x128xi32> to vector<1x128xi32>
      %eq3A_780 = vector.broadcast %select_n3A_730 : i32 to vector<1x128xi32>
      %eq3A_781 = arith.cmpi eq, %iota3A_6, %eq3A_780 : vector<1x128xi32>
      %add3A_782 = arith.constant 0 : i32
      %add3A_783 = arith.addi %reduce_min3A_774, %add3A_782 : i32
      %broadcast_in_dim3A_784 = vector.broadcast %add3A_783 : i32 to vector<1x128xi32>
      %select_n3A_785 = arith.select %eq3A_781, %broadcast_in_dim3A_784, %get3A_779 : vector<1x128xi1>, vector<1x128xi32>
      %swap3A_786 = arith.constant 0 : index
      %swap3A_787 = arith.index_cast %select_n3A_715 : i32 to index
      %swap3A_788 = arith.constant 0 : index
      %swap3A_789 = vector.load %arg4[%swap3A_786, %swap3A_787, %swap3A_788] : memref<4x8x128xi32, #tpu.memory_space<vmem>>, vector<1x1x128xi32>
      %swap3A_790 = vector.shape_cast %swap3A_789 : vector<1x1x128xi32> to vector<1x128xi32>
      %swap3A_791 = vector.shape_cast %select_n3A_785 : vector<1x128xi32> to vector<1x1x128xi32>
      tpu.vector_store %arg4[%swap3A_786, %swap3A_787, %swap3A_788], %swap3A_791 {strides = array<i32>} : memref<4x8x128xi32, #tpu.memory_space<vmem>>, vector<1x1x128xi32>,
      %eq3A_792 = vector.broadcast %reduce_min3A_774 : i32 to vector<8x128xi32>
      %eq3A_793 = arith.cmpi eq, %add3A_764, %eq3A_792 : vector<8x128xi32>
      %jit3A_794 = arith.constant -3.000000e+38 : f32
      %broadcast_in_dim3A_795 = vector.broadcast %jit3A_794 : f32 to vector<8x128xf32>
      %select_n3A_796 = arith.select %eq3A_793, %broadcast_in_dim3A_795, %get3A_756 : vector<8x128xi1>, vector<8x128xf32>
      %mul3A_797 = arith.constant 8 : i32
      %mul3A_798 = arith.muli %reduce_min3A_749, %mul3A_797 : i32
      %swap3A_799 = arith.constant 0 : index
      %swap3A_800 = arith.index_cast %mul3A_798 : i32 to index
      %swap3A_801 = arith.constant 0 : index
      %swap3A_802 = vector.load %arg7[%swap3A_799, %swap3A_800, %swap3A_801] : memref<4x392x128xf32, #tpu.memory_space<vmem>>, vector<1x8x128xf32>
      %swap3A_803 = vector.shape_cast %swap3A_802 : vector<1x8x128xf32> to vector<8x128xf32>
      %swap3A_804 = vector.shape_cast %select_n3A_796 : vector<8x128xf32> to vector<1x8x128xf32>
      tpu.vector_store %arg7[%swap3A_799, %swap3A_800, %swap3A_801], %swap3A_804 {strides = array<i32>} : memref<4x392x128xf32, #tpu.memory_space<vmem>>, vector<1x8x128xf32>,
      %reduce_max3A_805 = arith.constant dense<0xFF800000> : vector<128xf32>
      %reduce_max3A_806 = vector.multi_reduction <maximumf>, %select_n3A_796, %reduce_max3A_805 [0] : vector<8x128xf32> to vector<128xf32>
      %broadcast_in_dim3A_807 = vector.shape_cast %reduce_max3A_806 : vector<128xf32> to vector<1x128xf32>
      %swap3A_808 = arith.constant 0 : index
      %swap3A_809 = arith.index_cast %reduce_min3A_749 : i32 to index
      %swap3A_810 = arith.constant 0 : index
      %swap3A_811 = vector.load %arg8[%swap3A_808, %swap3A_809, %swap3A_810] : memref<4x49x128xf32, #tpu.memory_space<vmem>>, vector<1x1x128xf32>
      %swap3A_812 = vector.shape_cast %swap3A_811 : vector<1x1x128xf32> to vector<1x128xf32>
      %swap3A_813 = vector.shape_cast %broadcast_in_dim3A_807 : vector<1x128xf32> to vector<1x1x128xf32>
      tpu.vector_store %arg8[%swap3A_808, %swap3A_809, %swap3A_810], %swap3A_813 {strides = array<i32>} : memref<4x49x128xf32, #tpu.memory_space<vmem>>, vector<1x1x128xf32>,
      %get3A_814 = arith.constant 1 : index
      %get3A_815 = arith.constant 0 : index
      %get3A_816 = arith.constant 0 : index
      %get3A_817 = vector.load %arg8[%get3A_814, %get3A_815, %get3A_816] : memref<4x49x128xf32, #tpu.memory_space<vmem>>, vector<1x49x128xf32>
      %get3A_818 = vector.shape_cast %get3A_817 : vector<1x49x128xf32> to vector<49x128xf32>
      %reduce_max3A_819 = vector.shape_cast %get3A_818 : vector<49x128xf32> to vector<1x49x128xf32>
      %reduce_max3A_820 = arith.constant dense<0xFF800000> : vector<1xf32>
      %reduce_max3A_821 = vector.multi_reduction <maximumf>, %reduce_max3A_819, %reduce_max3A_820 [1, 2] : vector<1x49x128xf32> to vector<1xf32>
      %reduce_max3A_822 = vector.shape_cast %reduce_max3A_821 : vector<1xf32> to vector<1x1x1xf32>
      %reduce_max3A_823 = vector.extract %reduce_max3A_822[0, 0, 0] : f32 from vector<1x1x1xf32>
      %eq3A_824 = vector.broadcast %reduce_max3A_823 : f32 to vector<49x128xf32>
      %eq3A_825 = arith.cmpf oeq, %get3A_818, %eq3A_824 : vector<49x128xf32>
      %jit3A_826 = arith.constant 1073741824 : i32
      %broadcast_in_dim3A_827 = vector.broadcast %jit3A_826 : i32 to vector<49x128xi32>
      %select_n3A_828 = arith.select %eq3A_825, %iota3A_3, %broadcast_in_dim3A_827 : vector<49x128xi1>, vector<49x128xi32>
      %reduce_min3A_829 = vector.shape_cast %select_n3A_828 : vector<49x128xi32> to vector<1x49x128xi32>
      %reduce_min3A_830 = arith.constant dense<2147483647> : vector<1xi32>
      %reduce_min3A_831 = vector.multi_reduction <minsi>, %reduce_min3A_829, %reduce_min3A_830 [1, 2] : vector<1x49x128xi32> to vector<1xi32>
      %reduce_min3A_832 = vector.shape_cast %reduce_min3A_831 : vector<1xi32> to vector<1x1x1xi32>
      %reduce_min3A_833 = vector.extract %reduce_min3A_832[0, 0, 0] : i32 from vector<1x1x1xi32>
      %mul3A_834 = arith.constant 8 : i32
      %mul3A_835 = arith.muli %reduce_min3A_833, %mul3A_834 : i32
      %get3A_836 = arith.constant 1 : index
      %get3A_837 = arith.index_cast %mul3A_835 : i32 to index
      %get3A_838 = arith.constant 0 : index
      %get3A_839 = vector.load %arg7[%get3A_836, %get3A_837, %get3A_838] : memref<4x392x128xf32, #tpu.memory_space<vmem>>, vector<1x8x128xf32>
      %get3A_840 = vector.shape_cast %get3A_839 : vector<1x8x128xf32> to vector<8x128xf32>
      %mul3A_841 = arith.constant 8 : i32
      %mul3A_842 = arith.muli %reduce_min3A_833, %mul3A_841 : i32
      %add3A_843 = vector.broadcast %mul3A_842 : i32 to vector<8x128xi32>
      %add3A_844 = arith.addi %iota3A_4, %add3A_843 : vector<8x128xi32>
      %mul3A_845 = arith.constant 128 : i32
      %mul3A_846 = vector.broadcast %mul3A_845 : i32 to vector<8x128xi32>
      %mul3A_847 = arith.muli %add3A_844, %mul3A_846 : vector<8x128xi32>
      %add3A_848 = arith.addi %mul3A_847, %iota3A_5 : vector<8x128xi32>
      %eq3A_849 = vector.broadcast %reduce_max3A_823 : f32 to vector<8x128xf32>
      %eq3A_850 = arith.cmpf oeq, %get3A_840, %eq3A_849 : vector<8x128xf32>
      %jit3A_851 = arith.constant 1073741824 : i32
      %broadcast_in_dim3A_852 = vector.broadcast %jit3A_851 : i32 to vector<8x128xi32>
      %select_n3A_853 = arith.select %eq3A_850, %add3A_848, %broadcast_in_dim3A_852 : vector<8x128xi1>, vector<8x128xi32>
      %reduce_min3A_854 = vector.shape_cast %select_n3A_853 : vector<8x128xi32> to vector<1x8x128xi32>
      %reduce_min3A_855 = arith.constant dense<2147483647> : vector<1xi32>
      %reduce_min3A_856 = vector.multi_reduction <minsi>, %reduce_min3A_854, %reduce_min3A_855 [1, 2] : vector<1x8x128xi32> to vector<1xi32>
      %reduce_min3A_857 = vector.shape_cast %reduce_min3A_856 : vector<1xi32> to vector<1x1x1xi32>
      %reduce_min3A_858 = vector.extract %reduce_min3A_857[0, 0, 0] : i32 from vector<1x1x1xi32>
      %get3A_859 = arith.constant 1 : index
      %get3A_860 = arith.index_cast %select_n3A_715 : i32 to index
      %get3A_861 = arith.constant 0 : index
      %get3A_862 = vector.load %arg4[%get3A_859, %get3A_860, %get3A_861] : memref<4x8x128xi32, #tpu.memory_space<vmem>>, vector<1x1x128xi32>
      %get3A_863 = vector.shape_cast %get3A_862 : vector<1x1x128xi32> to vector<1x128xi32>
      %eq3A_864 = vector.broadcast %select_n3A_730 : i32 to vector<1x128xi32>
      %eq3A_865 = arith.cmpi eq, %iota3A_6, %eq3A_864 : vector<1x128xi32>
      %add3A_866 = arith.constant 50000 : i32
      %add3A_867 = arith.addi %reduce_min3A_858, %add3A_866 : i32
      %broadcast_in_dim3A_868 = vector.broadcast %add3A_867 : i32 to vector<1x128xi32>
      %select_n3A_869 = arith.select %eq3A_865, %broadcast_in_dim3A_868, %get3A_863 : vector<1x128xi1>, vector<1x128xi32>
      %swap3A_870 = arith.constant 1 : index
      %swap3A_871 = arith.index_cast %select_n3A_715 : i32 to index
      %swap3A_872 = arith.constant 0 : index
      %swap3A_873 = vector.load %arg4[%swap3A_870, %swap3A_871, %swap3A_872] : memref<4x8x128xi32, #tpu.memory_space<vmem>>, vector<1x1x128xi32>
      %swap3A_874 = vector.shape_cast %swap3A_873 : vector<1x1x128xi32> to vector<1x128xi32>
      %swap3A_875 = vector.shape_cast %select_n3A_869 : vector<1x128xi32> to vector<1x1x128xi32>
      tpu.vector_store %arg4[%swap3A_870, %swap3A_871, %swap3A_872], %swap3A_875 {strides = array<i32>} : memref<4x8x128xi32, #tpu.memory_space<vmem>>, vector<1x1x128xi32>,
      %eq3A_876 = vector.broadcast %reduce_min3A_858 : i32 to vector<8x128xi32>
      %eq3A_877 = arith.cmpi eq, %add3A_848, %eq3A_876 : vector<8x128xi32>
      %jit3A_878 = arith.constant -3.000000e+38 : f32
      %broadcast_in_dim3A_879 = vector.broadcast %jit3A_878 : f32 to vector<8x128xf32>
      %select_n3A_880 = arith.select %eq3A_877, %broadcast_in_dim3A_879, %get3A_840 : vector<8x128xi1>, vector<8x128xf32>
      %mul3A_881 = arith.constant 8 : i32
      %mul3A_882 = arith.muli %reduce_min3A_833, %mul3A_881 : i32
      %swap3A_883 = arith.constant 1 : index
      %swap3A_884 = arith.index_cast %mul3A_882 : i32 to index
      %swap3A_885 = arith.constant 0 : index
      %swap3A_886 = vector.load %arg7[%swap3A_883, %swap3A_884, %swap3A_885] : memref<4x392x128xf32, #tpu.memory_space<vmem>>, vector<1x8x128xf32>
      %swap3A_887 = vector.shape_cast %swap3A_886 : vector<1x8x128xf32> to vector<8x128xf32>
      %swap3A_888 = vector.shape_cast %select_n3A_880 : vector<8x128xf32> to vector<1x8x128xf32>
      tpu.vector_store %arg7[%swap3A_883, %swap3A_884, %swap3A_885], %swap3A_888 {strides = array<i32>} : memref<4x392x128xf32, #tpu.memory_space<vmem>>, vector<1x8x128xf32>,
      %reduce_max3A_889 = arith.constant dense<0xFF800000> : vector<128xf32>
      %reduce_max3A_890 = vector.multi_reduction <maximumf>, %select_n3A_880, %reduce_max3A_889 [0] : vector<8x128xf32> to vector<128xf32>
      %broadcast_in_dim3A_891 = vector.shape_cast %reduce_max3A_890 : vector<128xf32> to vector<1x128xf32>
      %swap3A_892 = arith.constant 1 : index
      %swap3A_893 = arith.index_cast %reduce_min3A_833 : i32 to index
      %swap3A_894 = arith.constant 0 : index
      %swap3A_895 = vector.load %arg8[%swap3A_892, %swap3A_893, %swap3A_894] : memref<4x49x128xf32, #tpu.memory_space<vmem>>, vector<1x1x128xf32>
      %swap3A_896 = vector.shape_cast %swap3A_895 : vector<1x1x128xf32> to vector<1x128xf32>
      %swap3A_897 = vector.shape_cast %broadcast_in_dim3A_891 : vector<1x128xf32> to vector<1x1x128xf32>
      tpu.vector_store %arg8[%swap3A_892, %swap3A_893, %swap3A_894], %swap3A_897 {strides = array<i32>} : memref<4x49x128xf32, #tpu.memory_space<vmem>>, vector<1x1x128xf32>,
      %get3A_898 = arith.constant 2 : index
      %get3A_899 = arith.constant 0 : index
      %get3A_900 = arith.constant 0 : index
      %get3A_901 = vector.load %arg8[%get3A_898, %get3A_899, %get3A_900] : memref<4x49x128xf32, #tpu.memory_space<vmem>>, vector<1x49x128xf32>
      %get3A_902 = vector.shape_cast %get3A_901 : vector<1x49x128xf32> to vector<49x128xf32>
      %reduce_max3A_903 = vector.shape_cast %get3A_902 : vector<49x128xf32> to vector<1x49x128xf32>
      %reduce_max3A_904 = arith.constant dense<0xFF800000> : vector<1xf32>
      %reduce_max3A_905 = vector.multi_reduction <maximumf>, %reduce_max3A_903, %reduce_max3A_904 [1, 2] : vector<1x49x128xf32> to vector<1xf32>
      %reduce_max3A_906 = vector.shape_cast %reduce_max3A_905 : vector<1xf32> to vector<1x1x1xf32>
      %reduce_max3A_907 = vector.extract %reduce_max3A_906[0, 0, 0] : f32 from vector<1x1x1xf32>
      %eq3A_908 = vector.broadcast %reduce_max3A_907 : f32 to vector<49x128xf32>
      %eq3A_909 = arith.cmpf oeq, %get3A_902, %eq3A_908 : vector<49x128xf32>
      %jit3A_910 = arith.constant 1073741824 : i32
      %broadcast_in_dim3A_911 = vector.broadcast %jit3A_910 : i32 to vector<49x128xi32>
      %select_n3A_912 = arith.select %eq3A_909, %iota3A_3, %broadcast_in_dim3A_911 : vector<49x128xi1>, vector<49x128xi32>
      %reduce_min3A_913 = vector.shape_cast %select_n3A_912 : vector<49x128xi32> to vector<1x49x128xi32>
      %reduce_min3A_914 = arith.constant dense<2147483647> : vector<1xi32>
      %reduce_min3A_915 = vector.multi_reduction <minsi>, %reduce_min3A_913, %reduce_min3A_914 [1, 2] : vector<1x49x128xi32> to vector<1xi32>
      %reduce_min3A_916 = vector.shape_cast %reduce_min3A_915 : vector<1xi32> to vector<1x1x1xi32>
      %reduce_min3A_917 = vector.extract %reduce_min3A_916[0, 0, 0] : i32 from vector<1x1x1xi32>
      %mul3A_918 = arith.constant 8 : i32
      %mul3A_919 = arith.muli %reduce_min3A_917, %mul3A_918 : i32
      %get3A_920 = arith.constant 2 : index
      %get3A_921 = arith.index_cast %mul3A_919 : i32 to index
      %get3A_922 = arith.constant 0 : index
      %get3A_923 = vector.load %arg7[%get3A_920, %get3A_921, %get3A_922] : memref<4x392x128xf32, #tpu.memory_space<vmem>>, vector<1x8x128xf32>
      %get3A_924 = vector.shape_cast %get3A_923 : vector<1x8x128xf32> to vector<8x128xf32>
      %mul3A_925 = arith.constant 8 : i32
      %mul3A_926 = arith.muli %reduce_min3A_917, %mul3A_925 : i32
      %add3A_927 = vector.broadcast %mul3A_926 : i32 to vector<8x128xi32>
      %add3A_928 = arith.addi %iota3A_4, %add3A_927 : vector<8x128xi32>
      %mul3A_929 = arith.constant 128 : i32
      %mul3A_930 = vector.broadcast %mul3A_929 : i32 to vector<8x128xi32>
      %mul3A_931 = arith.muli %add3A_928, %mul3A_930 : vector<8x128xi32>
      %add3A_932 = arith.addi %mul3A_931, %iota3A_5 : vector<8x128xi32>
      %eq3A_933 = vector.broadcast %reduce_max3A_907 : f32 to vector<8x128xf32>
      %eq3A_934 = arith.cmpf oeq, %get3A_924, %eq3A_933 : vector<8x128xf32>
      %jit3A_935 = arith.constant 1073741824 : i32
      %broadcast_in_dim3A_936 = vector.broadcast %jit3A_935 : i32 to vector<8x128xi32>
      %select_n3A_937 = arith.select %eq3A_934, %add3A_932, %broadcast_in_dim3A_936 : vector<8x128xi1>, vector<8x128xi32>
      %reduce_min3A_938 = vector.shape_cast %select_n3A_937 : vector<8x128xi32> to vector<1x8x128xi32>
      %reduce_min3A_939 = arith.constant dense<2147483647> : vector<1xi32>
      %reduce_min3A_940 = vector.multi_reduction <minsi>, %reduce_min3A_938, %reduce_min3A_939 [1, 2] : vector<1x8x128xi32> to vector<1xi32>
      %reduce_min3A_941 = vector.shape_cast %reduce_min3A_940 : vector<1xi32> to vector<1x1x1xi32>
      %reduce_min3A_942 = vector.extract %reduce_min3A_941[0, 0, 0] : i32 from vector<1x1x1xi32>
      %get3A_943 = arith.constant 2 : index
      %get3A_944 = arith.index_cast %select_n3A_715 : i32 to index
      %get3A_945 = arith.constant 0 : index
      %get3A_946 = vector.load %arg4[%get3A_943, %get3A_944, %get3A_945] : memref<4x8x128xi32, #tpu.memory_space<vmem>>, vector<1x1x128xi32>
      %get3A_947 = vector.shape_cast %get3A_946 : vector<1x1x128xi32> to vector<1x128xi32>
      %eq3A_948 = vector.broadcast %select_n3A_730 : i32 to vector<1x128xi32>
      %eq3A_949 = arith.cmpi eq, %iota3A_6, %eq3A_948 : vector<1x128xi32>
      %add3A_950 = arith.constant 100000 : i32
      %add3A_951 = arith.addi %reduce_min3A_942, %add3A_950 : i32
      %broadcast_in_dim3A_952 = vector.broadcast %add3A_951 : i32 to vector<1x128xi32>
      %select_n3A_953 = arith.select %eq3A_949, %broadcast_in_dim3A_952, %get3A_947 : vector<1x128xi1>, vector<1x128xi32>
      %swap3A_954 = arith.constant 2 : index
      %swap3A_955 = arith.index_cast %select_n3A_715 : i32 to index
      %swap3A_956 = arith.constant 0 : index
      %swap3A_957 = vector.load %arg4[%swap3A_954, %swap3A_955, %swap3A_956] : memref<4x8x128xi32, #tpu.memory_space<vmem>>, vector<1x1x128xi32>
      %swap3A_958 = vector.shape_cast %swap3A_957 : vector<1x1x128xi32> to vector<1x128xi32>
      %swap3A_959 = vector.shape_cast %select_n3A_953 : vector<1x128xi32> to vector<1x1x128xi32>
      tpu.vector_store %arg4[%swap3A_954, %swap3A_955, %swap3A_956], %swap3A_959 {strides = array<i32>} : memref<4x8x128xi32, #tpu.memory_space<vmem>>, vector<1x1x128xi32>,
      %eq3A_960 = vector.broadcast %reduce_min3A_942 : i32 to vector<8x128xi32>
      %eq3A_961 = arith.cmpi eq, %add3A_932, %eq3A_960 : vector<8x128xi32>
      %jit3A_962 = arith.constant -3.000000e+38 : f32
      %broadcast_in_dim3A_963 = vector.broadcast %jit3A_962 : f32 to vector<8x128xf32>
      %select_n3A_964 = arith.select %eq3A_961, %broadcast_in_dim3A_963, %get3A_924 : vector<8x128xi1>, vector<8x128xf32>
      %mul3A_965 = arith.constant 8 : i32
      %mul3A_966 = arith.muli %reduce_min3A_917, %mul3A_965 : i32
      %swap3A_967 = arith.constant 2 : index
      %swap3A_968 = arith.index_cast %mul3A_966 : i32 to index
      %swap3A_969 = arith.constant 0 : index
      %swap3A_970 = vector.load %arg7[%swap3A_967, %swap3A_968, %swap3A_969] : memref<4x392x128xf32, #tpu.memory_space<vmem>>, vector<1x8x128xf32>
      %swap3A_971 = vector.shape_cast %swap3A_970 : vector<1x8x128xf32> to vector<8x128xf32>
      %swap3A_972 = vector.shape_cast %select_n3A_964 : vector<8x128xf32> to vector<1x8x128xf32>
      tpu.vector_store %arg7[%swap3A_967, %swap3A_968, %swap3A_969], %swap3A_972 {strides = array<i32>} : memref<4x392x128xf32, #tpu.memory_space<vmem>>, vector<1x8x128xf32>,
      %reduce_max3A_973 = arith.constant dense<0xFF800000> : vector<128xf32>
      %reduce_max3A_974 = vector.multi_reduction <maximumf>, %select_n3A_964, %reduce_max3A_973 [0] : vector<8x128xf32> to vector<128xf32>
      %broadcast_in_dim3A_975 = vector.shape_cast %reduce_max3A_974 : vector<128xf32> to vector<1x128xf32>
      %swap3A_976 = arith.constant 2 : index
      %swap3A_977 = arith.index_cast %reduce_min3A_917 : i32 to index
      %swap3A_978 = arith.constant 0 : index
      %swap3A_979 = vector.load %arg8[%swap3A_976, %swap3A_977, %swap3A_978] : memref<4x49x128xf32, #tpu.memory_space<vmem>>, vector<1x1x128xf32>
      %swap3A_980 = vector.shape_cast %swap3A_979 : vector<1x1x128xf32> to vector<1x128xf32>
      %swap3A_981 = vector.shape_cast %broadcast_in_dim3A_975 : vector<1x128xf32> to vector<1x1x128xf32>
      tpu.vector_store %arg8[%swap3A_976, %swap3A_977, %swap3A_978], %swap3A_981 {strides = array<i32>} : memref<4x49x128xf32, #tpu.memory_space<vmem>>, vector<1x1x128xf32>,
      %get3A_982 = arith.constant 3 : index
      %get3A_983 = arith.constant 0 : index
      %get3A_984 = arith.constant 0 : index
      %get3A_985 = vector.load %arg8[%get3A_982, %get3A_983, %get3A_984] : memref<4x49x128xf32, #tpu.memory_space<vmem>>, vector<1x49x128xf32>
      %get3A_986 = vector.shape_cast %get3A_985 : vector<1x49x128xf32> to vector<49x128xf32>
      %reduce_max3A_987 = vector.shape_cast %get3A_986 : vector<49x128xf32> to vector<1x49x128xf32>
      %reduce_max3A_988 = arith.constant dense<0xFF800000> : vector<1xf32>
      %reduce_max3A_989 = vector.multi_reduction <maximumf>, %reduce_max3A_987, %reduce_max3A_988 [1, 2] : vector<1x49x128xf32> to vector<1xf32>
      %reduce_max3A_990 = vector.shape_cast %reduce_max3A_989 : vector<1xf32> to vector<1x1x1xf32>
      %reduce_max3A_991 = vector.extract %reduce_max3A_990[0, 0, 0] : f32 from vector<1x1x1xf32>
      %eq3A_992 = vector.broadcast %reduce_max3A_991 : f32 to vector<49x128xf32>
      %eq3A_993 = arith.cmpf oeq, %get3A_986, %eq3A_992 : vector<49x128xf32>
      %jit3A_994 = arith.constant 1073741824 : i32
      %broadcast_in_dim3A_995 = vector.broadcast %jit3A_994 : i32 to vector<49x128xi32>
      %select_n3A_996 = arith.select %eq3A_993, %iota3A_3, %broadcast_in_dim3A_995 : vector<49x128xi1>, vector<49x128xi32>
      %reduce_min3A_997 = vector.shape_cast %select_n3A_996 : vector<49x128xi32> to vector<1x49x128xi32>
      %reduce_min3A_998 = arith.constant dense<2147483647> : vector<1xi32>
      %reduce_min3A_999 = vector.multi_reduction <minsi>, %reduce_min3A_997, %reduce_min3A_998 [1, 2] : vector<1x49x128xi32> to vector<1xi32>
      %reduce_min3A_1000 = vector.shape_cast %reduce_min3A_999 : vector<1xi32> to vector<1x1x1xi32>
      %reduce_min3A_1001 = vector.extract %reduce_min3A_1000[0, 0, 0] : i32 from vector<1x1x1xi32>
      %mul3A_1002 = arith.constant 8 : i32
      %mul3A_1003 = arith.muli %reduce_min3A_1001, %mul3A_1002 : i32
      %get3A_1004 = arith.constant 3 : index
      %get3A_1005 = arith.index_cast %mul3A_1003 : i32 to index
      %get3A_1006 = arith.constant 0 : index
      %get3A_1007 = vector.load %arg7[%get3A_1004, %get3A_1005, %get3A_1006] : memref<4x392x128xf32, #tpu.memory_space<vmem>>, vector<1x8x128xf32>
      %get3A_1008 = vector.shape_cast %get3A_1007 : vector<1x8x128xf32> to vector<8x128xf32>
      %mul3A_1009 = arith.constant 8 : i32
      %mul3A_1010 = arith.muli %reduce_min3A_1001, %mul3A_1009 : i32
      %add3A_1011 = vector.broadcast %mul3A_1010 : i32 to vector<8x128xi32>
      %add3A_1012 = arith.addi %iota3A_4, %add3A_1011 : vector<8x128xi32>
      %mul3A_1013 = arith.constant 128 : i32
      %mul3A_1014 = vector.broadcast %mul3A_1013 : i32 to vector<8x128xi32>
      %mul3A_1015 = arith.muli %add3A_1012, %mul3A_1014 : vector<8x128xi32>
      %add3A_1016 = arith.addi %mul3A_1015, %iota3A_5 : vector<8x128xi32>
      %eq3A_1017 = vector.broadcast %reduce_max3A_991 : f32 to vector<8x128xf32>
      %eq3A_1018 = arith.cmpf oeq, %get3A_1008, %eq3A_1017 : vector<8x128xf32>
      %jit3A_1019 = arith.constant 1073741824 : i32
      %broadcast_in_dim3A_1020 = vector.broadcast %jit3A_1019 : i32 to vector<8x128xi32>
      %select_n3A_1021 = arith.select %eq3A_1018, %add3A_1016, %broadcast_in_dim3A_1020 : vector<8x128xi1>, vector<8x128xi32>
      %reduce_min3A_1022 = vector.shape_cast %select_n3A_1021 : vector<8x128xi32> to vector<1x8x128xi32>
      %reduce_min3A_1023 = arith.constant dense<2147483647> : vector<1xi32>
      %reduce_min3A_1024 = vector.multi_reduction <minsi>, %reduce_min3A_1022, %reduce_min3A_1023 [1, 2] : vector<1x8x128xi32> to vector<1xi32>
      %reduce_min3A_1025 = vector.shape_cast %reduce_min3A_1024 : vector<1xi32> to vector<1x1x1xi32>
      %reduce_min3A_1026 = vector.extract %reduce_min3A_1025[0, 0, 0] : i32 from vector<1x1x1xi32>
      %get3A_1027 = arith.constant 3 : index
      %get3A_1028 = arith.index_cast %select_n3A_715 : i32 to index
      %get3A_1029 = arith.constant 0 : index
      %get3A_1030 = vector.load %arg4[%get3A_1027, %get3A_1028, %get3A_1029] : memref<4x8x128xi32, #tpu.memory_space<vmem>>, vector<1x1x128xi32>
      %get3A_1031 = vector.shape_cast %get3A_1030 : vector<1x1x128xi32> to vector<1x128xi32>
      %eq3A_1032 = vector.broadcast %select_n3A_730 : i32 to vector<1x128xi32>
      %eq3A_1033 = arith.cmpi eq, %iota3A_6, %eq3A_1032 : vector<1x128xi32>
      %add3A_1034 = arith.constant 150000 : i32
      %add3A_1035 = arith.addi %reduce_min3A_1026, %add3A_1034 : i32
      %broadcast_in_dim3A_1036 = vector.broadcast %add3A_1035 : i32 to vector<1x128xi32>
      %select_n3A_1037 = arith.select %eq3A_1033, %broadcast_in_dim3A_1036, %get3A_1031 : vector<1x128xi1>, vector<1x128xi32>
      %swap3A_1038 = arith.constant 3 : index
      %swap3A_1039 = arith.index_cast %select_n3A_715 : i32 to index
      %swap3A_1040 = arith.constant 0 : index
      %swap3A_1041 = vector.load %arg4[%swap3A_1038, %swap3A_1039, %swap3A_1040] : memref<4x8x128xi32, #tpu.memory_space<vmem>>, vector<1x1x128xi32>
      %swap3A_1042 = vector.shape_cast %swap3A_1041 : vector<1x1x128xi32> to vector<1x128xi32>
      %swap3A_1043 = vector.shape_cast %select_n3A_1037 : vector<1x128xi32> to vector<1x1x128xi32>
      tpu.vector_store %arg4[%swap3A_1038, %swap3A_1039, %swap3A_1040], %swap3A_1043 {strides = array<i32>} : memref<4x8x128xi32, #tpu.memory_space<vmem>>, vector<1x1x128xi32>,
      %eq3A_1044 = vector.broadcast %reduce_min3A_1026 : i32 to vector<8x128xi32>
      %eq3A_1045 = arith.cmpi eq, %add3A_1016, %eq3A_1044 : vector<8x128xi32>
      %jit3A_1046 = arith.constant -3.000000e+38 : f32
      %broadcast_in_dim3A_1047 = vector.broadcast %jit3A_1046 : f32 to vector<8x128xf32>
      %select_n3A_1048 = arith.select %eq3A_1045, %broadcast_in_dim3A_1047, %get3A_1008 : vector<8x128xi1>, vector<8x128xf32>
      %mul3A_1049 = arith.constant 8 : i32
      %mul3A_1050 = arith.muli %reduce_min3A_1001, %mul3A_1049 : i32
      %swap3A_1051 = arith.constant 3 : index
      %swap3A_1052 = arith.index_cast %mul3A_1050 : i32 to index
      %swap3A_1053 = arith.constant 0 : index
      %swap3A_1054 = vector.load %arg7[%swap3A_1051, %swap3A_1052, %swap3A_1053] : memref<4x392x128xf32, #tpu.memory_space<vmem>>, vector<1x8x128xf32>
      %swap3A_1055 = vector.shape_cast %swap3A_1054 : vector<1x8x128xf32> to vector<8x128xf32>
      %swap3A_1056 = vector.shape_cast %select_n3A_1048 : vector<8x128xf32> to vector<1x8x128xf32>
      tpu.vector_store %arg7[%swap3A_1051, %swap3A_1052, %swap3A_1053], %swap3A_1056 {strides = array<i32>} : memref<4x392x128xf32, #tpu.memory_space<vmem>>, vector<1x8x128xf32>,
      %reduce_max3A_1057 = arith.constant dense<0xFF800000> : vector<128xf32>
      %reduce_max3A_1058 = vector.multi_reduction <maximumf>, %select_n3A_1048, %reduce_max3A_1057 [0] : vector<8x128xf32> to vector<128xf32>
      %broadcast_in_dim3A_1059 = vector.shape_cast %reduce_max3A_1058 : vector<128xf32> to vector<1x128xf32>
      %swap3A_1060 = arith.constant 3 : index
      %swap3A_1061 = arith.index_cast %reduce_min3A_1001 : i32 to index
      %swap3A_1062 = arith.constant 0 : index
      %swap3A_1063 = vector.load %arg8[%swap3A_1060, %swap3A_1061, %swap3A_1062] : memref<4x49x128xf32, #tpu.memory_space<vmem>>, vector<1x1x128xf32>
      %swap3A_1064 = vector.shape_cast %swap3A_1063 : vector<1x1x128xf32> to vector<1x128xf32>
      %swap3A_1065 = vector.shape_cast %broadcast_in_dim3A_1059 : vector<1x128xf32> to vector<1x1x128xf32>
      tpu.vector_store %arg8[%swap3A_1060, %swap3A_1061, %swap3A_1062], %swap3A_1065 {strides = array<i32>} : memref<4x49x128xf32, #tpu.memory_space<vmem>>, vector<1x1x128xf32>,
    }
    %scan3A_658 = arith.constant 1024 : i32
    %get3A_659 = arith.constant 0 : index
    %get3A_660 = arith.constant 0 : index
    %get3A_661 = arith.constant 0 : index
    %get3A_662 = vector.load %arg4[%get3A_659, %get3A_660, %get3A_661] : memref<4x8x128xi32, #tpu.memory_space<vmem>>, vector<1x2x128xi32>
    %get3A_663 = vector.shape_cast %get3A_662 : vector<1x2x128xi32> to vector<2x128xi32>
    %sub3A = arith.constant 0 : i32
    %sub3A_664 = vector.broadcast %sub3A : i32 to vector<2x128xi32>
    %sub3A_665 = arith.subi %get3A_663, %sub3A_664 : vector<2x128xi32>
    %get3A_666 = arith.constant 1 : index
    %get3A_667 = arith.constant 0 : index
    %get3A_668 = arith.constant 0 : index
    %get3A_669 = vector.load %arg4[%get3A_666, %get3A_667, %get3A_668] : memref<4x8x128xi32, #tpu.memory_space<vmem>>, vector<1x2x128xi32>
    %get3A_670 = vector.shape_cast %get3A_669 : vector<1x2x128xi32> to vector<2x128xi32>
    %sub3A_671 = arith.constant 50000 : i32
    %sub3A_672 = vector.broadcast %sub3A_671 : i32 to vector<2x128xi32>
    %sub3A_673 = arith.subi %get3A_670, %sub3A_672 : vector<2x128xi32>
    %get3A_674 = arith.constant 2 : index
    %get3A_675 = arith.constant 0 : index
    %get3A_676 = arith.constant 0 : index
    %get3A_677 = vector.load %arg4[%get3A_674, %get3A_675, %get3A_676] : memref<4x8x128xi32, #tpu.memory_space<vmem>>, vector<1x2x128xi32>
    %get3A_678 = vector.shape_cast %get3A_677 : vector<1x2x128xi32> to vector<2x128xi32>
    %sub3A_679 = arith.constant 100000 : i32
    %sub3A_680 = vector.broadcast %sub3A_679 : i32 to vector<2x128xi32>
    %sub3A_681 = arith.subi %get3A_678, %sub3A_680 : vector<2x128xi32>
    %get3A_682 = arith.constant 3 : index
    %get3A_683 = arith.constant 0 : index
    %get3A_684 = arith.constant 0 : index
    %get3A_685 = vector.load %arg4[%get3A_682, %get3A_683, %get3A_684] : memref<4x8x128xi32, #tpu.memory_space<vmem>>, vector<1x2x128xi32>
    %get3A_686 = vector.shape_cast %get3A_685 : vector<1x2x128xi32> to vector<2x128xi32>
    %sub3A_687 = arith.constant 150000 : i32
    %sub3A_688 = vector.broadcast %sub3A_687 : i32 to vector<2x128xi32>
    %sub3A_689 = arith.subi %get3A_686, %sub3A_688 : vector<2x128xi32>
    %scan3A_690 = arith.constant 0 : i32
    %scan3A_691 = arith.constant 256 : i32
    %scan3A_692 = arith.addi %scan3A_690, %scan3A_691 : i32
    %scan3A_693 = arith.constant 1 : i32
    %scan3A_694:4 = scf.for %scan3A_696 = %scan3A_690 to %scan3A_692 step %scan3A_693 iter_args(%scan3A_697 = %sub3A_665, %scan3A_698 = %sub3A_673, %scan3A_699 = %sub3A_681, %scan3A_700 = %sub3A_689) -> (vector<2x128xi32>, vector<2x128xi32>, vector<2x128xi32>, vector<2x128xi32>)  : i32 {
      %jit3A_701 = arith.constant 128 : i32
      %div3A = arith.divsi %scan3A_696, %jit3A_701 : i32
      %sign3A = arith.constant 0 : i32
      %sign3A_702 = arith.cmpi sgt, %scan3A_696, %sign3A : i32
      %sign3A_703 = arith.extui %sign3A_702 : i1 to i32
      %sign3A_704 = arith.constant 0 : i32
      %sign3A_705 = arith.cmpi slt, %scan3A_696, %sign3A_704 : i32
      %sign3A_706 = arith.extui %sign3A_705 : i1 to i32
      %sign3A_707 = arith.subi %sign3A_703, %sign3A_706 : i32
      %sign3A_708 = arith.constant 0 : i32
      %sign3A_709 = arith.cmpi sgt, %jit3A_701, %sign3A_708 : i32
      %sign3A_710 = arith.extui %sign3A_709 : i1 to i32
      %sign3A_711 = arith.constant 0 : i32
      %sign3A_712 = arith.cmpi slt, %jit3A_701, %sign3A_711 : i32
      %sign3A_713 = arith.extui %sign3A_712 : i1 to i32
      %sign3A_714 = arith.subi %sign3A_710, %sign3A_713 : i32
      %ne3A = arith.cmpi ne, %sign3A_707, %sign3A_714 : i32
      %rem3A = arith.remsi %scan3A_696, %jit3A_701 : i32
      %ne3A_715 = arith.constant 0 : i32
      %ne3A_716 = arith.cmpi ne, %rem3A, %ne3A_715 : i32
      %and3A = arith.andi %ne3A, %ne3A_716 : i1
      %sub3A_717 = arith.constant 1 : i32
      %sub3A_718 = arith.subi %div3A, %sub3A_717 : i32
      %select_n3A_719 = arith.select %and3A, %sub3A_718, %div3A : i32
      %jit3A_720 = arith.constant 128 : i32
      %eq3A = arith.constant 0 : i32
      %eq3A_721 = arith.cmpi eq, %jit3A_720, %eq3A : i32
      %jit3A_722 = arith.constant 1 : i32
      %select_n3A_723 = arith.select %eq3A_721, %jit3A_722, %jit3A_720 : i32
      %rem3A_724 = arith.remsi %scan3A_696, %select_n3A_723 : i32
      %ne3A_725 = arith.constant 0 : i32
      %ne3A_726 = arith.cmpi ne, %rem3A_724, %ne3A_725 : i32
      %lt3A_727 = arith.constant 0 : i32
      %lt3A_728 = arith.cmpi slt, %rem3A_724, %lt3A_727 : i32
      %lt3A_729 = arith.constant 0 : i32
      %lt3A_730 = arith.cmpi slt, %select_n3A_723, %lt3A_729 : i32
      %ne3A_731 = arith.xori %lt3A_728, %lt3A_730 : i1
      %and3A_732 = arith.andi %ne3A_731, %ne3A_726 : i1
      %add3A_733 = arith.addi %rem3A_724, %select_n3A_723 : i32
      %select_n3A_734 = arith.select %and3A_732, %add3A_733, %rem3A_724 : i32
      %reduce_min3A = vector.shape_cast %scan3A_697 : vector<2x128xi32> to vector<1x2x128xi32>
      %reduce_min3A_735 = arith.constant dense<2147483647> : vector<1xi32>
      %reduce_min3A_736 = vector.multi_reduction <minsi>, %reduce_min3A, %reduce_min3A_735 [1, 2] : vector<1x2x128xi32> to vector<1xi32>
      %reduce_min3A_737 = vector.shape_cast %reduce_min3A_736 : vector<1xi32> to vector<1x1x1xi32>
      %reduce_min3A_738 = vector.extract %reduce_min3A_737[0, 0, 0] : i32 from vector<1x1x1xi32>
      %get3A_739 = arith.constant 0 : index
      %get3A_740 = arith.index_cast %select_n3A_719 : i32 to index
      %get3A_741 = arith.constant 0 : index
      %get3A_742 = vector.load %arg5[%get3A_739, %get3A_740, %get3A_741] : memref<4x2x128xi32, #tpu.memory_space<vmem>>, vector<1x1x128xi32>
      %get3A_743 = vector.shape_cast %get3A_742 : vector<1x1x128xi32> to vector<1x128xi32>
      %eq3A_744 = vector.broadcast %select_n3A_734 : i32 to vector<1x128xi32>
      %eq3A_745 = arith.cmpi eq, %iota3A_6, %eq3A_744 : vector<1x128xi32>
      %broadcast_in_dim3A_746 = vector.broadcast %reduce_min3A_738 : i32 to vector<1x128xi32>
      %select_n3A_747 = arith.select %eq3A_745, %broadcast_in_dim3A_746, %get3A_743 : vector<1x128xi1>, vector<1x128xi32>
      %swap3A_748 = arith.constant 0 : index
      %swap3A_749 = arith.index_cast %select_n3A_719 : i32 to index
      %swap3A_750 = arith.constant 0 : index
      %swap3A_751 = vector.load %arg5[%swap3A_748, %swap3A_749, %swap3A_750] : memref<4x2x128xi32, #tpu.memory_space<vmem>>, vector<1x1x128xi32>
      %swap3A_752 = vector.shape_cast %swap3A_751 : vector<1x1x128xi32> to vector<1x128xi32>
      %swap3A_753 = vector.shape_cast %select_n3A_747 : vector<1x128xi32> to vector<1x1x128xi32>
      tpu.vector_store %arg5[%swap3A_748, %swap3A_749, %swap3A_750], %swap3A_753 {strides = array<i32>} : memref<4x2x128xi32, #tpu.memory_space<vmem>>, vector<1x1x128xi32>,
      %jit3A_754 = arith.constant 128 : i32
      %div3A_755 = arith.divsi %reduce_min3A_738, %jit3A_754 : i32
      %sign3A_756 = arith.constant 0 : i32
      %sign3A_757 = arith.cmpi sgt, %reduce_min3A_738, %sign3A_756 : i32
      %sign3A_758 = arith.extui %sign3A_757 : i1 to i32
      %sign3A_759 = arith.constant 0 : i32
      %sign3A_760 = arith.cmpi slt, %reduce_min3A_738, %sign3A_759 : i32
      %sign3A_761 = arith.extui %sign3A_760 : i1 to i32
      %sign3A_762 = arith.subi %sign3A_758, %sign3A_761 : i32
      %sign3A_763 = arith.constant 0 : i32
      %sign3A_764 = arith.cmpi sgt, %jit3A_754, %sign3A_763 : i32
      %sign3A_765 = arith.extui %sign3A_764 : i1 to i32
      %sign3A_766 = arith.constant 0 : i32
      %sign3A_767 = arith.cmpi slt, %jit3A_754, %sign3A_766 : i32
      %sign3A_768 = arith.extui %sign3A_767 : i1 to i32
      %sign3A_769 = arith.subi %sign3A_765, %sign3A_768 : i32
      %ne3A_770 = arith.cmpi ne, %sign3A_762, %sign3A_769 : i32
      %rem3A_771 = arith.remsi %reduce_min3A_738, %jit3A_754 : i32
      %ne3A_772 = arith.constant 0 : i32
      %ne3A_773 = arith.cmpi ne, %rem3A_771, %ne3A_772 : i32
      %and3A_774 = arith.andi %ne3A_770, %ne3A_773 : i1
      %sub3A_775 = arith.constant 1 : i32
      %sub3A_776 = arith.subi %div3A_755, %sub3A_775 : i32
      %select_n3A_777 = arith.select %and3A_774, %sub3A_776, %div3A_755 : i32
      %jit3A_778 = arith.constant 128 : i32
      %eq3A_779 = arith.constant 0 : i32
      %eq3A_780 = arith.cmpi eq, %jit3A_778, %eq3A_779 : i32
      %jit3A_781 = arith.constant 1 : i32
      %select_n3A_782 = arith.select %eq3A_780, %jit3A_781, %jit3A_778 : i32
      %rem3A_783 = arith.remsi %reduce_min3A_738, %select_n3A_782 : i32
      %ne3A_784 = arith.constant 0 : i32
      %ne3A_785 = arith.cmpi ne, %rem3A_783, %ne3A_784 : i32
      %lt3A_786 = arith.constant 0 : i32
      %lt3A_787 = arith.cmpi slt, %rem3A_783, %lt3A_786 : i32
      %lt3A_788 = arith.constant 0 : i32
      %lt3A_789 = arith.cmpi slt, %select_n3A_782, %lt3A_788 : i32
      %ne3A_790 = arith.xori %lt3A_787, %lt3A_789 : i1
      %and3A_791 = arith.andi %ne3A_790, %ne3A_785 : i1
      %add3A_792 = arith.addi %rem3A_783, %select_n3A_782 : i32
      %select_n3A_793 = arith.select %and3A_791, %add3A_792, %rem3A_783 : i32
      %get3A_794 = arith.constant 0 : index
      %get3A_795 = arith.constant 0 : index
      %get3A_796 = arith.index_cast %select_n3A_777 : i32 to index
      %get3A_797 = arith.constant 0 : index
      %get3A_798 = vector.load %arg3[%get3A_794, %get3A_795, %get3A_796, %get3A_797] : memref<4x3x392x128xf32, #tpu.memory_space<vmem>>, vector<1x3x1x128xf32>
      %get3A_799 = vector.shape_cast %get3A_798 : vector<1x3x1x128xf32> to vector<3x1x128xf32>
      %squeeze3A = vector.shape_cast %get3A_799 : vector<3x1x128xf32> to vector<3x128xf32>
      %eq3A_800 = vector.broadcast %select_n3A_793 : i32 to vector<3x128xi32>
      %eq3A_801 = arith.cmpi eq, %iota3A_8, %eq3A_800 : vector<3x128xi32>
      %jit3A_802 = arith.constant 0.000000e+00 : f32
      %broadcast_in_dim3A_803 = vector.broadcast %jit3A_802 : f32 to vector<3x128xf32>
      %select_n3A_804 = arith.select %eq3A_801, %squeeze3A, %broadcast_in_dim3A_803 : vector<3x128xi1>, vector<3x128xf32>
      %reduce_sum3A = arith.constant dense<0.000000e+00> : vector<3xf32>
      %reduce_sum3A_805 = vector.multi_reduction <add>, %select_n3A_804, %reduce_sum3A [1] : vector<3x128xf32> to vector<3xf32>
      %broadcast_in_dim3A_806 = vector.shape_cast %reduce_sum3A_805 : vector<3xf32> to vector<3x1xf32>
      %eq3A_807 = vector.broadcast %scan3A_696 : i32 to vector<3x256xi32>
      %eq3A_808 = arith.cmpi eq, %iota3A_7, %eq3A_807 : vector<3x256xi32>
      %get3A_809 = arith.constant 0 : index
      %get3A_810 = arith.constant 0 : index
      %get3A_811 = arith.constant 0 : index
      %get3A_812 = vector.load %arg6[%get3A_809, %get3A_810, %get3A_811] : memref<4x3x256xf32, #tpu.memory_space<vmem>>, vector<1x3x256xf32>
      %get3A_813 = vector.shape_cast %get3A_812 : vector<1x3x256xf32> to vector<3x256xf32>
      %broadcast_in_dim3A_814 = vector.shape_cast %broadcast_in_dim3A_806 : vector<3x1xf32> to vector<3x1xf32>
      %broadcast_in_dim3A_815 = vector.broadcast %broadcast_in_dim3A_814 : vector<3x1xf32> to vector<3x256xf32>
      %select_n3A_816 = arith.select %eq3A_808, %broadcast_in_dim3A_815, %get3A_813 : vector<3x256xi1>, vector<3x256xf32>
      %swap3A_817 = arith.constant 0 : index
      %swap3A_818 = arith.constant 0 : index
      %swap3A_819 = arith.constant 0 : index
      %swap3A_820 = vector.load %arg6[%swap3A_817, %swap3A_818, %swap3A_819] : memref<4x3x256xf32, #tpu.memory_space<vmem>>, vector<1x3x256xf32>
      %swap3A_821 = vector.shape_cast %swap3A_820 : vector<1x3x256xf32> to vector<3x256xf32>
      %swap3A_822 = vector.shape_cast %select_n3A_816 : vector<3x256xf32> to vector<1x3x256xf32>
      tpu.vector_store %arg6[%swap3A_817, %swap3A_818, %swap3A_819], %swap3A_822 {strides = array<i32>} : memref<4x3x256xf32, #tpu.memory_space<vmem>>, vector<1x3x256xf32>,
      %eq3A_823 = vector.broadcast %reduce_min3A_738 : i32 to vector<2x128xi32>
      %eq3A_824 = arith.cmpi eq, %scan3A_697, %eq3A_823 : vector<2x128xi32>
      %jit3A_825 = arith.constant 1073741824 : i32
      %broadcast_in_dim3A_826 = vector.broadcast %jit3A_825 : i32 to vector<2x128xi32>
      %select_n3A_827 = arith.select %eq3A_824, %broadcast_in_dim3A_826, %scan3A_697 : vector<2x128xi1>, vector<2x128xi32>
      %reduce_min3A_828 = vector.shape_cast %scan3A_698 : vector<2x128xi32> to vector<1x2x128xi32>
      %reduce_min3A_829 = arith.constant dense<2147483647> : vector<1xi32>
      %reduce_min3A_830 = vector.multi_reduction <minsi>, %reduce_min3A_828, %reduce_min3A_829 [1, 2] : vector<1x2x128xi32> to vector<1xi32>
      %reduce_min3A_831 = vector.shape_cast %reduce_min3A_830 : vector<1xi32> to vector<1x1x1xi32>
      %reduce_min3A_832 = vector.extract %reduce_min3A_831[0, 0, 0] : i32 from vector<1x1x1xi32>
      %get3A_833 = arith.constant 1 : index
      %get3A_834 = arith.index_cast %select_n3A_719 : i32 to index
      %get3A_835 = arith.constant 0 : index
      %get3A_836 = vector.load %arg5[%get3A_833, %get3A_834, %get3A_835] : memref<4x2x128xi32, #tpu.memory_space<vmem>>, vector<1x1x128xi32>
      %get3A_837 = vector.shape_cast %get3A_836 : vector<1x1x128xi32> to vector<1x128xi32>
      %eq3A_838 = vector.broadcast %select_n3A_734 : i32 to vector<1x128xi32>
      %eq3A_839 = arith.cmpi eq, %iota3A_6, %eq3A_838 : vector<1x128xi32>
      %broadcast_in_dim3A_840 = vector.broadcast %reduce_min3A_832 : i32 to vector<1x128xi32>
      %select_n3A_841 = arith.select %eq3A_839, %broadcast_in_dim3A_840, %get3A_837 : vector<1x128xi1>, vector<1x128xi32>
      %swap3A_842 = arith.constant 1 : index
      %swap3A_843 = arith.index_cast %select_n3A_719 : i32 to index
      %swap3A_844 = arith.constant 0 : index
      %swap3A_845 = vector.load %arg5[%swap3A_842, %swap3A_843, %swap3A_844] : memref<4x2x128xi32, #tpu.memory_space<vmem>>, vector<1x1x128xi32>
      %swap3A_846 = vector.shape_cast %swap3A_845 : vector<1x1x128xi32> to vector<1x128xi32>
      %swap3A_847 = vector.shape_cast %select_n3A_841 : vector<1x128xi32> to vector<1x1x128xi32>
      tpu.vector_store %arg5[%swap3A_842, %swap3A_843, %swap3A_844], %swap3A_847 {strides = array<i32>} : memref<4x2x128xi32, #tpu.memory_space<vmem>>, vector<1x1x128xi32>,
      %jit3A_848 = arith.constant 128 : i32
      %div3A_849 = arith.divsi %reduce_min3A_832, %jit3A_848 : i32
      %sign3A_850 = arith.constant 0 : i32
      %sign3A_851 = arith.cmpi sgt, %reduce_min3A_832, %sign3A_850 : i32
      %sign3A_852 = arith.extui %sign3A_851 : i1 to i32
      %sign3A_853 = arith.constant 0 : i32
      %sign3A_854 = arith.cmpi slt, %reduce_min3A_832, %sign3A_853 : i32
      %sign3A_855 = arith.extui %sign3A_854 : i1 to i32
      %sign3A_856 = arith.subi %sign3A_852, %sign3A_855 : i32
      %sign3A_857 = arith.constant 0 : i32
      %sign3A_858 = arith.cmpi sgt, %jit3A_848, %sign3A_857 : i32
      %sign3A_859 = arith.extui %sign3A_858 : i1 to i32
      %sign3A_860 = arith.constant 0 : i32
      %sign3A_861 = arith.cmpi slt, %jit3A_848, %sign3A_860 : i32
      %sign3A_862 = arith.extui %sign3A_861 : i1 to i32
      %sign3A_863 = arith.subi %sign3A_859, %sign3A_862 : i32
      %ne3A_864 = arith.cmpi ne, %sign3A_856, %sign3A_863 : i32
      %rem3A_865 = arith.remsi %reduce_min3A_832, %jit3A_848 : i32
      %ne3A_866 = arith.constant 0 : i32
      %ne3A_867 = arith.cmpi ne, %rem3A_865, %ne3A_866 : i32
      %and3A_868 = arith.andi %ne3A_864, %ne3A_867 : i1
      %sub3A_869 = arith.constant 1 : i32
      %sub3A_870 = arith.subi %div3A_849, %sub3A_869 : i32
      %select_n3A_871 = arith.select %and3A_868, %sub3A_870, %div3A_849 : i32
      %jit3A_872 = arith.constant 128 : i32
      %eq3A_873 = arith.constant 0 : i32
      %eq3A_874 = arith.cmpi eq, %jit3A_872, %eq3A_873 : i32
      %jit3A_875 = arith.constant 1 : i32
      %select_n3A_876 = arith.select %eq3A_874, %jit3A_875, %jit3A_872 : i32
      %rem3A_877 = arith.remsi %reduce_min3A_832, %select_n3A_876 : i32
      %ne3A_878 = arith.constant 0 : i32
      %ne3A_879 = arith.cmpi ne, %rem3A_877, %ne3A_878 : i32
      %lt3A_880 = arith.constant 0 : i32
      %lt3A_881 = arith.cmpi slt, %rem3A_877, %lt3A_880 : i32
      %lt3A_882 = arith.constant 0 : i32
      %lt3A_883 = arith.cmpi slt, %select_n3A_876, %lt3A_882 : i32
      %ne3A_884 = arith.xori %lt3A_881, %lt3A_883 : i1
      %and3A_885 = arith.andi %ne3A_884, %ne3A_879 : i1
      %add3A_886 = arith.addi %rem3A_877, %select_n3A_876 : i32
      %select_n3A_887 = arith.select %and3A_885, %add3A_886, %rem3A_877 : i32
      %get3A_888 = arith.constant 1 : index
      %get3A_889 = arith.constant 0 : index
      %get3A_890 = arith.index_cast %select_n3A_871 : i32 to index
      %get3A_891 = arith.constant 0 : index
      %get3A_892 = vector.load %arg3[%get3A_888, %get3A_889, %get3A_890, %get3A_891] : memref<4x3x392x128xf32, #tpu.memory_space<vmem>>, vector<1x3x1x128xf32>
      %get3A_893 = vector.shape_cast %get3A_892 : vector<1x3x1x128xf32> to vector<3x1x128xf32>
      %squeeze3A_894 = vector.shape_cast %get3A_893 : vector<3x1x128xf32> to vector<3x128xf32>
      %eq3A_895 = vector.broadcast %select_n3A_887 : i32 to vector<3x128xi32>
      %eq3A_896 = arith.cmpi eq, %iota3A_8, %eq3A_895 : vector<3x128xi32>
      %jit3A_897 = arith.constant 0.000000e+00 : f32
      %broadcast_in_dim3A_898 = vector.broadcast %jit3A_897 : f32 to vector<3x128xf32>
      %select_n3A_899 = arith.select %eq3A_896, %squeeze3A_894, %broadcast_in_dim3A_898 : vector<3x128xi1>, vector<3x128xf32>
      %reduce_sum3A_900 = arith.constant dense<0.000000e+00> : vector<3xf32>
      %reduce_sum3A_901 = vector.multi_reduction <add>, %select_n3A_899, %reduce_sum3A_900 [1] : vector<3x128xf32> to vector<3xf32>
      %broadcast_in_dim3A_902 = vector.shape_cast %reduce_sum3A_901 : vector<3xf32> to vector<3x1xf32>
      %eq3A_903 = vector.broadcast %scan3A_696 : i32 to vector<3x256xi32>
      %eq3A_904 = arith.cmpi eq, %iota3A_7, %eq3A_903 : vector<3x256xi32>
      %get3A_905 = arith.constant 1 : index
      %get3A_906 = arith.constant 0 : index
      %get3A_907 = arith.constant 0 : index
      %get3A_908 = vector.load %arg6[%get3A_905, %get3A_906, %get3A_907] : memref<4x3x256xf32, #tpu.memory_space<vmem>>, vector<1x3x256xf32>
      %get3A_909 = vector.shape_cast %get3A_908 : vector<1x3x256xf32> to vector<3x256xf32>
      %broadcast_in_dim3A_910 = vector.shape_cast %broadcast_in_dim3A_902 : vector<3x1xf32> to vector<3x1xf32>
      %broadcast_in_dim3A_911 = vector.broadcast %broadcast_in_dim3A_910 : vector<3x1xf32> to vector<3x256xf32>
      %select_n3A_912 = arith.select %eq3A_904, %broadcast_in_dim3A_911, %get3A_909 : vector<3x256xi1>, vector<3x256xf32>
      %swap3A_913 = arith.constant 1 : index
      %swap3A_914 = arith.constant 0 : index
      %swap3A_915 = arith.constant 0 : index
      %swap3A_916 = vector.load %arg6[%swap3A_913, %swap3A_914, %swap3A_915] : memref<4x3x256xf32, #tpu.memory_space<vmem>>, vector<1x3x256xf32>
      %swap3A_917 = vector.shape_cast %swap3A_916 : vector<1x3x256xf32> to vector<3x256xf32>
      %swap3A_918 = vector.shape_cast %select_n3A_912 : vector<3x256xf32> to vector<1x3x256xf32>
      tpu.vector_store %arg6[%swap3A_913, %swap3A_914, %swap3A_915], %swap3A_918 {strides = array<i32>} : memref<4x3x256xf32, #tpu.memory_space<vmem>>, vector<1x3x256xf32>,
      %eq3A_919 = vector.broadcast %reduce_min3A_832 : i32 to vector<2x128xi32>
      %eq3A_920 = arith.cmpi eq, %scan3A_698, %eq3A_919 : vector<2x128xi32>
      %jit3A_921 = arith.constant 1073741824 : i32
      %broadcast_in_dim3A_922 = vector.broadcast %jit3A_921 : i32 to vector<2x128xi32>
      %select_n3A_923 = arith.select %eq3A_920, %broadcast_in_dim3A_922, %scan3A_698 : vector<2x128xi1>, vector<2x128xi32>
      %reduce_min3A_924 = vector.shape_cast %scan3A_699 : vector<2x128xi32> to vector<1x2x128xi32>
      %reduce_min3A_925 = arith.constant dense<2147483647> : vector<1xi32>
      %reduce_min3A_926 = vector.multi_reduction <minsi>, %reduce_min3A_924, %reduce_min3A_925 [1, 2] : vector<1x2x128xi32> to vector<1xi32>
      %reduce_min3A_927 = vector.shape_cast %reduce_min3A_926 : vector<1xi32> to vector<1x1x1xi32>
      %reduce_min3A_928 = vector.extract %reduce_min3A_927[0, 0, 0] : i32 from vector<1x1x1xi32>
      %get3A_929 = arith.constant 2 : index
      %get3A_930 = arith.index_cast %select_n3A_719 : i32 to index
      %get3A_931 = arith.constant 0 : index
      %get3A_932 = vector.load %arg5[%get3A_929, %get3A_930, %get3A_931] : memref<4x2x128xi32, #tpu.memory_space<vmem>>, vector<1x1x128xi32>
      %get3A_933 = vector.shape_cast %get3A_932 : vector<1x1x128xi32> to vector<1x128xi32>
      %eq3A_934 = vector.broadcast %select_n3A_734 : i32 to vector<1x128xi32>
      %eq3A_935 = arith.cmpi eq, %iota3A_6, %eq3A_934 : vector<1x128xi32>
      %broadcast_in_dim3A_936 = vector.broadcast %reduce_min3A_928 : i32 to vector<1x128xi32>
      %select_n3A_937 = arith.select %eq3A_935, %broadcast_in_dim3A_936, %get3A_933 : vector<1x128xi1>, vector<1x128xi32>
      %swap3A_938 = arith.constant 2 : index
      %swap3A_939 = arith.index_cast %select_n3A_719 : i32 to index
      %swap3A_940 = arith.constant 0 : index
      %swap3A_941 = vector.load %arg5[%swap3A_938, %swap3A_939, %swap3A_940] : memref<4x2x128xi32, #tpu.memory_space<vmem>>, vector<1x1x128xi32>
      %swap3A_942 = vector.shape_cast %swap3A_941 : vector<1x1x128xi32> to vector<1x128xi32>
      %swap3A_943 = vector.shape_cast %select_n3A_937 : vector<1x128xi32> to vector<1x1x128xi32>
      tpu.vector_store %arg5[%swap3A_938, %swap3A_939, %swap3A_940], %swap3A_943 {strides = array<i32>} : memref<4x2x128xi32, #tpu.memory_space<vmem>>, vector<1x1x128xi32>,
      %jit3A_944 = arith.constant 128 : i32
      %div3A_945 = arith.divsi %reduce_min3A_928, %jit3A_944 : i32
      %sign3A_946 = arith.constant 0 : i32
      %sign3A_947 = arith.cmpi sgt, %reduce_min3A_928, %sign3A_946 : i32
      %sign3A_948 = arith.extui %sign3A_947 : i1 to i32
      %sign3A_949 = arith.constant 0 : i32
      %sign3A_950 = arith.cmpi slt, %reduce_min3A_928, %sign3A_949 : i32
      %sign3A_951 = arith.extui %sign3A_950 : i1 to i32
      %sign3A_952 = arith.subi %sign3A_948, %sign3A_951 : i32
      %sign3A_953 = arith.constant 0 : i32
      %sign3A_954 = arith.cmpi sgt, %jit3A_944, %sign3A_953 : i32
      %sign3A_955 = arith.extui %sign3A_954 : i1 to i32
      %sign3A_956 = arith.constant 0 : i32
      %sign3A_957 = arith.cmpi slt, %jit3A_944, %sign3A_956 : i32
      %sign3A_958 = arith.extui %sign3A_957 : i1 to i32
      %sign3A_959 = arith.subi %sign3A_955, %sign3A_958 : i32
      %ne3A_960 = arith.cmpi ne, %sign3A_952, %sign3A_959 : i32
      %rem3A_961 = arith.remsi %reduce_min3A_928, %jit3A_944 : i32
      %ne3A_962 = arith.constant 0 : i32
      %ne3A_963 = arith.cmpi ne, %rem3A_961, %ne3A_962 : i32
      %and3A_964 = arith.andi %ne3A_960, %ne3A_963 : i1
      %sub3A_965 = arith.constant 1 : i32
      %sub3A_966 = arith.subi %div3A_945, %sub3A_965 : i32
      %select_n3A_967 = arith.select %and3A_964, %sub3A_966, %div3A_945 : i32
      %jit3A_968 = arith.constant 128 : i32
      %eq3A_969 = arith.constant 0 : i32
      %eq3A_970 = arith.cmpi eq, %jit3A_968, %eq3A_969 : i32
      %jit3A_971 = arith.constant 1 : i32
      %select_n3A_972 = arith.select %eq3A_970, %jit3A_971, %jit3A_968 : i32
      %rem3A_973 = arith.remsi %reduce_min3A_928, %select_n3A_972 : i32
      %ne3A_974 = arith.constant 0 : i32
      %ne3A_975 = arith.cmpi ne, %rem3A_973, %ne3A_974 : i32
      %lt3A_976 = arith.constant 0 : i32
      %lt3A_977 = arith.cmpi slt, %rem3A_973, %lt3A_976 : i32
      %lt3A_978 = arith.constant 0 : i32
      %lt3A_979 = arith.cmpi slt, %select_n3A_972, %lt3A_978 : i32
      %ne3A_980 = arith.xori %lt3A_977, %lt3A_979 : i1
      %and3A_981 = arith.andi %ne3A_980, %ne3A_975 : i1
      %add3A_982 = arith.addi %rem3A_973, %select_n3A_972 : i32
      %select_n3A_983 = arith.select %and3A_981, %add3A_982, %rem3A_973 : i32
      %get3A_984 = arith.constant 2 : index
      %get3A_985 = arith.constant 0 : index
      %get3A_986 = arith.index_cast %select_n3A_967 : i32 to index
      %get3A_987 = arith.constant 0 : index
      %get3A_988 = vector.load %arg3[%get3A_984, %get3A_985, %get3A_986, %get3A_987] : memref<4x3x392x128xf32, #tpu.memory_space<vmem>>, vector<1x3x1x128xf32>
      %get3A_989 = vector.shape_cast %get3A_988 : vector<1x3x1x128xf32> to vector<3x1x128xf32>
      %squeeze3A_990 = vector.shape_cast %get3A_989 : vector<3x1x128xf32> to vector<3x128xf32>
      %eq3A_991 = vector.broadcast %select_n3A_983 : i32 to vector<3x128xi32>
      %eq3A_992 = arith.cmpi eq, %iota3A_8, %eq3A_991 : vector<3x128xi32>
      %jit3A_993 = arith.constant 0.000000e+00 : f32
      %broadcast_in_dim3A_994 = vector.broadcast %jit3A_993 : f32 to vector<3x128xf32>
      %select_n3A_995 = arith.select %eq3A_992, %squeeze3A_990, %broadcast_in_dim3A_994 : vector<3x128xi1>, vector<3x128xf32>
      %reduce_sum3A_996 = arith.constant dense<0.000000e+00> : vector<3xf32>
      %reduce_sum3A_997 = vector.multi_reduction <add>, %select_n3A_995, %reduce_sum3A_996 [1] : vector<3x128xf32> to vector<3xf32>
      %broadcast_in_dim3A_998 = vector.shape_cast %reduce_sum3A_997 : vector<3xf32> to vector<3x1xf32>
      %eq3A_999 = vector.broadcast %scan3A_696 : i32 to vector<3x256xi32>
      %eq3A_1000 = arith.cmpi eq, %iota3A_7, %eq3A_999 : vector<3x256xi32>
      %get3A_1001 = arith.constant 2 : index
      %get3A_1002 = arith.constant 0 : index
      %get3A_1003 = arith.constant 0 : index
      %get3A_1004 = vector.load %arg6[%get3A_1001, %get3A_1002, %get3A_1003] : memref<4x3x256xf32, #tpu.memory_space<vmem>>, vector<1x3x256xf32>
      %get3A_1005 = vector.shape_cast %get3A_1004 : vector<1x3x256xf32> to vector<3x256xf32>
      %broadcast_in_dim3A_1006 = vector.shape_cast %broadcast_in_dim3A_998 : vector<3x1xf32> to vector<3x1xf32>
      %broadcast_in_dim3A_1007 = vector.broadcast %broadcast_in_dim3A_1006 : vector<3x1xf32> to vector<3x256xf32>
      %select_n3A_1008 = arith.select %eq3A_1000, %broadcast_in_dim3A_1007, %get3A_1005 : vector<3x256xi1>, vector<3x256xf32>
      %swap3A_1009 = arith.constant 2 : index
      %swap3A_1010 = arith.constant 0 : index
      %swap3A_1011 = arith.constant 0 : index
      %swap3A_1012 = vector.load %arg6[%swap3A_1009, %swap3A_1010, %swap3A_1011] : memref<4x3x256xf32, #tpu.memory_space<vmem>>, vector<1x3x256xf32>
      %swap3A_1013 = vector.shape_cast %swap3A_1012 : vector<1x3x256xf32> to vector<3x256xf32>
      %swap3A_1014 = vector.shape_cast %select_n3A_1008 : vector<3x256xf32> to vector<1x3x256xf32>
      tpu.vector_store %arg6[%swap3A_1009, %swap3A_1010, %swap3A_1011], %swap3A_1014 {strides = array<i32>} : memref<4x3x256xf32, #tpu.memory_space<vmem>>, vector<1x3x256xf32>,
      %eq3A_1015 = vector.broadcast %reduce_min3A_928 : i32 to vector<2x128xi32>
      %eq3A_1016 = arith.cmpi eq, %scan3A_699, %eq3A_1015 : vector<2x128xi32>
      %jit3A_1017 = arith.constant 1073741824 : i32
      %broadcast_in_dim3A_1018 = vector.broadcast %jit3A_1017 : i32 to vector<2x128xi32>
      %select_n3A_1019 = arith.select %eq3A_1016, %broadcast_in_dim3A_1018, %scan3A_699 : vector<2x128xi1>, vector<2x128xi32>
      %reduce_min3A_1020 = vector.shape_cast %scan3A_700 : vector<2x128xi32> to vector<1x2x128xi32>
      %reduce_min3A_1021 = arith.constant dense<2147483647> : vector<1xi32>
      %reduce_min3A_1022 = vector.multi_reduction <minsi>, %reduce_min3A_1020, %reduce_min3A_1021 [1, 2] : vector<1x2x128xi32> to vector<1xi32>
      %reduce_min3A_1023 = vector.shape_cast %reduce_min3A_1022 : vector<1xi32> to vector<1x1x1xi32>
      %reduce_min3A_1024 = vector.extract %reduce_min3A_1023[0, 0, 0] : i32 from vector<1x1x1xi32>
      %get3A_1025 = arith.constant 3 : index
      %get3A_1026 = arith.index_cast %select_n3A_719 : i32 to index
      %get3A_1027 = arith.constant 0 : index
      %get3A_1028 = vector.load %arg5[%get3A_1025, %get3A_1026, %get3A_1027] : memref<4x2x128xi32, #tpu.memory_space<vmem>>, vector<1x1x128xi32>
      %get3A_1029 = vector.shape_cast %get3A_1028 : vector<1x1x128xi32> to vector<1x128xi32>
      %eq3A_1030 = vector.broadcast %select_n3A_734 : i32 to vector<1x128xi32>
      %eq3A_1031 = arith.cmpi eq, %iota3A_6, %eq3A_1030 : vector<1x128xi32>
      %broadcast_in_dim3A_1032 = vector.broadcast %reduce_min3A_1024 : i32 to vector<1x128xi32>
      %select_n3A_1033 = arith.select %eq3A_1031, %broadcast_in_dim3A_1032, %get3A_1029 : vector<1x128xi1>, vector<1x128xi32>
      %swap3A_1034 = arith.constant 3 : index
      %swap3A_1035 = arith.index_cast %select_n3A_719 : i32 to index
      %swap3A_1036 = arith.constant 0 : index
      %swap3A_1037 = vector.load %arg5[%swap3A_1034, %swap3A_1035, %swap3A_1036] : memref<4x2x128xi32, #tpu.memory_space<vmem>>, vector<1x1x128xi32>
      %swap3A_1038 = vector.shape_cast %swap3A_1037 : vector<1x1x128xi32> to vector<1x128xi32>
      %swap3A_1039 = vector.shape_cast %select_n3A_1033 : vector<1x128xi32> to vector<1x1x128xi32>
      tpu.vector_store %arg5[%swap3A_1034, %swap3A_1035, %swap3A_1036], %swap3A_1039 {strides = array<i32>} : memref<4x2x128xi32, #tpu.memory_space<vmem>>, vector<1x1x128xi32>,
      %jit3A_1040 = arith.constant 128 : i32
      %div3A_1041 = arith.divsi %reduce_min3A_1024, %jit3A_1040 : i32
      %sign3A_1042 = arith.constant 0 : i32
      %sign3A_1043 = arith.cmpi sgt, %reduce_min3A_1024, %sign3A_1042 : i32
      %sign3A_1044 = arith.extui %sign3A_1043 : i1 to i32
      %sign3A_1045 = arith.constant 0 : i32
      %sign3A_1046 = arith.cmpi slt, %reduce_min3A_1024, %sign3A_1045 : i32
      %sign3A_1047 = arith.extui %sign3A_1046 : i1 to i32
      %sign3A_1048 = arith.subi %sign3A_1044, %sign3A_1047 : i32
      %sign3A_1049 = arith.constant 0 : i32
      %sign3A_1050 = arith.cmpi sgt, %jit3A_1040, %sign3A_1049 : i32
      %sign3A_1051 = arith.extui %sign3A_1050 : i1 to i32
      %sign3A_1052 = arith.constant 0 : i32
      %sign3A_1053 = arith.cmpi slt, %jit3A_1040, %sign3A_1052 : i32
      %sign3A_1054 = arith.extui %sign3A_1053 : i1 to i32
      %sign3A_1055 = arith.subi %sign3A_1051, %sign3A_1054 : i32
      %ne3A_1056 = arith.cmpi ne, %sign3A_1048, %sign3A_1055 : i32
      %rem3A_1057 = arith.remsi %reduce_min3A_1024, %jit3A_1040 : i32
      %ne3A_1058 = arith.constant 0 : i32
      %ne3A_1059 = arith.cmpi ne, %rem3A_1057, %ne3A_1058 : i32
      %and3A_1060 = arith.andi %ne3A_1056, %ne3A_1059 : i1
      %sub3A_1061 = arith.constant 1 : i32
      %sub3A_1062 = arith.subi %div3A_1041, %sub3A_1061 : i32
      %select_n3A_1063 = arith.select %and3A_1060, %sub3A_1062, %div3A_1041 : i32
      %jit3A_1064 = arith.constant 128 : i32
      %eq3A_1065 = arith.constant 0 : i32
      %eq3A_1066 = arith.cmpi eq, %jit3A_1064, %eq3A_1065 : i32
      %jit3A_1067 = arith.constant 1 : i32
      %select_n3A_1068 = arith.select %eq3A_1066, %jit3A_1067, %jit3A_1064 : i32
      %rem3A_1069 = arith.remsi %reduce_min3A_1024, %select_n3A_1068 : i32
      %ne3A_1070 = arith.constant 0 : i32
      %ne3A_1071 = arith.cmpi ne, %rem3A_1069, %ne3A_1070 : i32
      %lt3A_1072 = arith.constant 0 : i32
      %lt3A_1073 = arith.cmpi slt, %rem3A_1069, %lt3A_1072 : i32
      %lt3A_1074 = arith.constant 0 : i32
      %lt3A_1075 = arith.cmpi slt, %select_n3A_1068, %lt3A_1074 : i32
      %ne3A_1076 = arith.xori %lt3A_1073, %lt3A_1075 : i1
      %and3A_1077 = arith.andi %ne3A_1076, %ne3A_1071 : i1
      %add3A_1078 = arith.addi %rem3A_1069, %select_n3A_1068 : i32
      %select_n3A_1079 = arith.select %and3A_1077, %add3A_1078, %rem3A_1069 : i32
      %get3A_1080 = arith.constant 3 : index
      %get3A_1081 = arith.constant 0 : index
      %get3A_1082 = arith.index_cast %select_n3A_1063 : i32 to index
      %get3A_1083 = arith.constant 0 : index
      %get3A_1084 = vector.load %arg3[%get3A_1080, %get3A_1081, %get3A_1082, %get3A_1083] : memref<4x3x392x128xf32, #tpu.memory_space<vmem>>, vector<1x3x1x128xf32>
      %get3A_1085 = vector.shape_cast %get3A_1084 : vector<1x3x1x128xf32> to vector<3x1x128xf32>
      %squeeze3A_1086 = vector.shape_cast %get3A_1085 : vector<3x1x128xf32> to vector<3x128xf32>
      %eq3A_1087 = vector.broadcast %select_n3A_1079 : i32 to vector<3x128xi32>
      %eq3A_1088 = arith.cmpi eq, %iota3A_8, %eq3A_1087 : vector<3x128xi32>
      %jit3A_1089 = arith.constant 0.000000e+00 : f32
      %broadcast_in_dim3A_1090 = vector.broadcast %jit3A_1089 : f32 to vector<3x128xf32>
      %select_n3A_1091 = arith.select %eq3A_1088, %squeeze3A_1086, %broadcast_in_dim3A_1090 : vector<3x128xi1>, vector<3x128xf32>
      %reduce_sum3A_1092 = arith.constant dense<0.000000e+00> : vector<3xf32>
      %reduce_sum3A_1093 = vector.multi_reduction <add>, %select_n3A_1091, %reduce_sum3A_1092 [1] : vector<3x128xf32> to vector<3xf32>
      %broadcast_in_dim3A_1094 = vector.shape_cast %reduce_sum3A_1093 : vector<3xf32> to vector<3x1xf32>
      %eq3A_1095 = vector.broadcast %scan3A_696 : i32 to vector<3x256xi32>
      %eq3A_1096 = arith.cmpi eq, %iota3A_7, %eq3A_1095 : vector<3x256xi32>
      %get3A_1097 = arith.constant 3 : index
      %get3A_1098 = arith.constant 0 : index
      %get3A_1099 = arith.constant 0 : index
      %get3A_1100 = vector.load %arg6[%get3A_1097, %get3A_1098, %get3A_1099] : memref<4x3x256xf32, #tpu.memory_space<vmem>>, vector<1x3x256xf32>
      %get3A_1101 = vector.shape_cast %get3A_1100 : vector<1x3x256xf32> to vector<3x256xf32>
      %broadcast_in_dim3A_1102 = vector.shape_cast %broadcast_in_dim3A_1094 : vector<3x1xf32> to vector<3x1xf32>
      %broadcast_in_dim3A_1103 = vector.broadcast %broadcast_in_dim3A_1102 : vector<3x1xf32> to vector<3x256xf32>
      %select_n3A_1104 = arith.select %eq3A_1096, %broadcast_in_dim3A_1103, %get3A_1101 : vector<3x256xi1>, vector<3x256xf32>
      %swap3A_1105 = arith.constant 3 : index
      %swap3A_1106 = arith.constant 0 : index
      %swap3A_1107 = arith.constant 0 : index
      %swap3A_1108 = vector.load %arg6[%swap3A_1105, %swap3A_1106, %swap3A_1107] : memref<4x3x256xf32, #tpu.memory_space<vmem>>, vector<1x3x256xf32>
      %swap3A_1109 = vector.shape_cast %swap3A_1108 : vector<1x3x256xf32> to vector<3x256xf32>
      %swap3A_1110 = vector.shape_cast %select_n3A_1104 : vector<3x256xf32> to vector<1x3x256xf32>
      tpu.vector_store %arg6[%swap3A_1105, %swap3A_1106, %swap3A_1107], %swap3A_1110 {strides = array<i32>} : memref<4x3x256xf32, #tpu.memory_space<vmem>>, vector<1x3x256xf32>,
      %eq3A_1111 = vector.broadcast %reduce_min3A_1024 : i32 to vector<2x128xi32>
      %eq3A_1112 = arith.cmpi eq, %scan3A_700, %eq3A_1111 : vector<2x128xi32>
      %jit3A_1113 = arith.constant 1073741824 : i32
      %broadcast_in_dim3A_1114 = vector.broadcast %jit3A_1113 : i32 to vector<2x128xi32>
      %select_n3A_1115 = arith.select %eq3A_1112, %broadcast_in_dim3A_1114, %scan3A_700 : vector<2x128xi1>, vector<2x128xi32>
      scf.yield %select_n3A_827, %select_n3A_923, %select_n3A_1019, %select_n3A_1115 : vector<2x128xi32>, vector<2x128xi32>, vector<2x128xi32>, vector<2x128xi32>
    }
    %scan3A_695 = arith.constant 256 : i32
    return
  }
  func.func @transform_0(%arg0: i32) -> (i32, i32, i32, i32) {
    %c0_i32 = arith.constant 0 : i32
    %c0_i32_0 = arith.constant 0 : i32
    %c0_i32_1 = arith.constant 0 : i32
    %c0_i32_2 = arith.constant 0 : i32
    %c0_i32_3 = arith.constant 0 : i32
    return %c0_i32, %c0_i32_0, %c0_i32_1, %c0_i32_2 : i32, i32, i32, i32
  }
  func.func @transform_1(%arg0: i32) -> (i32, i32, i32) {
    %c0_i32 = arith.constant 0 : i32
    %c0_i32_0 = arith.constant 0 : i32
    %c0_i32_1 = arith.constant 0 : i32
    %c0_i32_2 = arith.constant 0 : i32
    return %c0_i32, %c0_i32_0, %c0_i32_1 : i32, i32, i32
  }
  func.func @transform_2(%arg0: i32) -> (i32, i32, i32, i32) {
    %c0_i32 = arith.constant 0 : i32
    %c0_i32_0 = arith.constant 0 : i32
    %c0_i32_1 = arith.constant 0 : i32
    %c0_i32_2 = arith.constant 0 : i32
    %c0_i32_3 = arith.constant 0 : i32
    return %c0_i32, %c0_i32_0, %c0_i32_1, %c0_i32_2 : i32, i32, i32, i32
  }
  func.func @transform_3(%arg0: i32) -> (i32, i32, i32) {
    %c0_i32 = arith.constant 0 : i32
    %c0_i32_0 = arith.constant 0 : i32
    %c0_i32_1 = arith.constant 0 : i32
    %c0_i32_2 = arith.constant 0 : i32
    return %c0_i32, %c0_i32_0, %c0_i32_1 : i32, i32, i32
  }
  func.func @transform_4(%arg0: i32) -> (i32, i32, i32) {
    %c0_i32 = arith.constant 0 : i32
    %c0_i32_0 = arith.constant 0 : i32
    %c0_i32_1 = arith.constant 0 : i32
    %c0_i32_2 = arith.constant 0 : i32
    return %c0_i32, %c0_i32_0, %c0_i32_1 : i32, i32, i32
  }
  func.func @transform_5(%arg0: i32) -> (i32, i32, i32) {
    %c0_i32 = arith.constant 0 : i32
    %c0_i32_0 = arith.constant 0 : i32
    %c0_i32_1 = arith.constant 0 : i32
    %c0_i32_2 = arith.constant 0 : i32
    return %c0_i32, %c0_i32_0, %c0_i32_1 : i32, i32, i32
  }
}

</mosaic_0001>

<sc_bundles>
// kernel: kernel.4.cloned.1.call-start
scs
__scs_entry_jumppad:
0x0: {  	(pc) =	sbr.rel $0x88, $3  }
0x1: {  	(tag) =	ssettag $0x0;
	lr =	simm.s32 $0x1  }
0x2: {  	[smem:$0x3F9D] =	sst lr;
	_ =	strace $0xD0000000  }
0x3: {  	_ = 	snop  }
0x4: {  	_ = 	snop  }
0x5: {  	_ = 	snop  }
0x6: {  	_ = 	snop  }
0x7: {  	_ = 	snop  }
__scs_overlays_trampoline_lowered:
0x8: {  	[smem:$0x3FAC] =	sst s0  }
0x9: {  	[smem:$0x3FAD] =	sst s1  }
0xa: {  	[smem:$0x3FAE] =	sst s2  }
0xb: {  	[smem:$0x3FAF] =	sst s3  }
0xc: {  	[smem:$0x3FB0] =	sst s4  }
0xd: {  	[smem:$0x3FB1] =	sst s5  }
0xe: {  	[smem:$0x3FB2] =	sst s6  }
0xf: {  	[smem:$0x3FB3] =	sst s7  }
0x10: {  	[smem:$0x3FB4] =	sst s8  }
0x11: {  	[smem:$0x3FB5] =	sst s9;
	s0 =	simm.s32 @!p0 $0x0  }
0x12: {  	s1 =	sld [smem:$0x3F9B];
	s0 =	simm.s32 @p0 $0x1  }
0x13: {  	[smem:$0x3FB6] =	sst s0;
	s0 =	simm.s32 @!p1 $0x0  }
0x14: {  	s2 =	sld [smem:$0x3F9A];
	s0 =	simm.s32 @p1 $0x1  }
0x15: {  	[smem:$0x3FB7] =	sst s0;
	s0 =	simm.s32 @!p2 $0x0  }
0x16: {  	s3 =	sld [smem:$0x3FDB];
	s0 =	simm.s32 @p2 $0x1  }
0x17: {  	s4 =	simm.s32 $0x1BF5;
	[smem:$0x3FB9] =	sst s0  }
0x18: {  	s0 =	sld [smem:$0x3F9C];
	_ =	swait.ge [sflag:s4], $0x0  }
0x19: {  	s7 =	sld [smem:$0x3F9D]  }
0x1a: {  	s8 =	sadd.s32 $0xFFFFE003, lr  }
0x1b: {  	s9 =	sadd.s32 $0xFFFFFEF7, lr;
	s5 =	simm.s32 $0xFFFFFFFF;
	p2 =	slt.u32 s8, $0xFFFFF086  }
0x1c: {  	p1 =	slt.u32 s9, $0xF7A;
	s5 =	simm.s32 @!p2 $0x0  }
0x1d: {  	s5 =	simm.s32 @p1 $0x1;
	p0 =	seq.s32 s7, s2  }
0x1e: {  	s7 =	smul.u32 @!p0 $0xF7A, s2;
	p2 =	seq.s32 @!p0 s5, $0x0  }
0x1f: {  	s9 =	smul.u32 $0xF7A, s1;
	s8 =	simm.s32 @!p0 $0x1BF5;
	p2 =	por !p2, p0  }
0x20: {  	[sflag:s8] =	ssyncset.s32 @!p0 $0xFFFFF086;
	s6 =	sadd.s32 @!p0 s3, s7;
	s7 =	simm.s32 @!p0 $0x108  }
0x21: {  	s3 =	sadd.s32 s3, s9;
	s6 =	sadd.s32 @!p0 $0x88, s6;
	s7 =	simm.s32 @p2 $0x1082  }
0x22: {  	[simem:s7], [sflag:s8] =	dma.local @!p0 [hbm:s6], $0xF7A  }
0x23: {  	s9 =	sor.u32 $0xD0000000, s2;
	s6 =	simm.s32 $0x108;
	_ =	swait.ge @!p0 [sflag:s8], $0x0  }
0x24: {  	s3 =	sadd.s32 $0x88, s3;
	s6 =	simm.s32 @!p1 $0x1082;
	[sflag:s4] =	ssyncset.s32 $0xFFFFF086  }
0x25: {  	[simem:s6], [sflag:s4] =	dma.local [hbm:s3], $0xF7A  }
0x26: {  	[smem:$0x3F9D] =	sst s1;
	(tag) =	ssettag s2;
	_ =	strace s9  }
0x27: {  	s1 =	sld [smem:$0x3FAD]  }
0x28: {  	s2 =	sld [smem:$0x3FAE]  }
0x29: {  	s4 =	sld [smem:$0x3FB0]  }
0x2a: {  	p0 =	seq.s32 s5, $0x0;
	s5 =	sld [smem:$0x3FB1]  }
0x2b: {  	s6 =	sld [smem:$0x3FB2]  }
0x2c: {  	s7 =	sld [smem:$0x3FB3]  }
0x2d: {  	s3 =	simm.s32 $0x108;
	s8 =	sld [smem:$0x3FB4]  }
0x2e: {  	s3 =	simm.s32 @!p0 $0x1082;
	s9 =	sld [smem:$0x3FB5]  }
0x2f: {  	lr =	sadd.s32 s0, s3;
	s0 =	sld [smem:$0x3FAC]  }
0x30: {  	s3 =	sld [smem:$0x3FAF]  }
0x31: {  	[smem:$0x3FB8] =	sst s10  }
0x32: {  	s10 =	sld [smem:$0x3FB6];
	_ =	sdelay $0x3  }
0x33: {  	p0 =	seq.s32 s10, $0x1;
	s10 =	sld [smem:$0x3FB8];
	_ =	sdelay $0x3  }
0x34: {  	[smem:$0x3FB8] =	sst s10  }
0x35: {  	s10 =	sld [smem:$0x3FB7];
	_ =	sdelay $0x3  }
0x36: {  	p1 =	seq.s32 s10, $0x1;
	s10 =	sld [smem:$0x3FB8];
	_ =	sdelay $0x3  }
0x37: {  	[smem:$0x3FB8] =	sst s10  }
0x38: {  	s10 =	sld [smem:$0x3FB9]  }
0x39: {  	_ = 	snop;
	(pc) =	sbr.ind lr, $3  }
0x3a: {  	_ = 	snop  }
0x3b: {  	_ = 	snop  }
0x3c: {  	p2 =	seq.s32 s10, $0x1;
	s10 =	sld [smem:$0x3FB8]  }
0x3d: {  	_ =	shalt  }
0x3e: {  	_ =	shalt  }
0x3f: {  	_ =	shalt  }
0x40: {  	_ =	shalt  }
0x41: {  	_ =	shalt  }
0x42: {  	_ =	shalt  }
0x43: {  	_ =	shalt  }
0x44: {  	_ =	shalt  }
0x45: {  	_ =	shalt  }
0x46: {  	_ =	shalt  }
0x47: {  	_ =	shalt  }
0x48: {  	_ =	shalt  }
0x49: {  	_ =	shalt  }
0x4a: {  	_ =	shalt  }
0x4b: {  	_ =	shalt  }
0x4c: {  	_ =	shalt  }
0x4d: {  	_ =	shalt  }
0x4e: {  	_ =	shalt  }
0x4f: {  	_ =	shalt  }
0x50: {  	_ =	shalt  }
0x51: {  	_ =	shalt  }
0x52: {  	_ =	shalt  }
0x53: {  	_ =	shalt  }
0x54: {  	_ =	shalt  }
0x55: {  	_ =	shalt  }
0x56: {  	_ =	shalt  }
0x57: {  	_ =	shalt  }
0x58: {  	_ =	shalt  }
0x59: {  	_ =	shalt  }
0x5a: {  	_ =	shalt  }
0x5b: {  	_ =	shalt  }
0x5c: {  	_ =	shalt  }
0x5d: {  	_ =	shalt  }
0x5e: {  	_ =	shalt  }
0x5f: {  	_ =	shalt  }
0x60: {  	_ =	shalt  }
0x61: {  	_ =	shalt  }
0x62: {  	_ =	shalt  }
0x63: {  	_ =	shalt  }
0x64: {  	_ =	shalt  }
0x65: {  	_ =	shalt  }
0x66: {  	_ =	shalt  }
0x67: {  	_ =	shalt  }
0x68: {  	_ =	shalt  }
0x69: {  	_ =	shalt  }
0x6a: {  	_ =	shalt  }
0x6b: {  	_ =	shalt  }
0x6c: {  	_ =	shalt  }
0x6d: {  	_ =	shalt  }
0x6e: {  	_ =	shalt  }
0x6f: {  	_ =	shalt  }
0x70: {  	_ =	shalt  }
0x71: {  	_ =	shalt  }
0x72: {  	_ =	shalt  }
0x73: {  	_ =	shalt  }
0x74: {  	_ =	shalt  }
0x75: {  	_ =	shalt  }
0x76: {  	_ =	shalt  }
0x77: {  	_ =	shalt  }
0x78: {  	_ =	shalt  }
0x79: {  	_ =	shalt  }
0x7a: {  	_ =	shalt  }
0x7b: {  	_ =	shalt  }
0x7c: {  	_ =	shalt  }
0x7d: {  	_ =	shalt  }
0x7e: {  	_ =	shalt  }
0x7f: {  	_ =	shalt  }
0x80: {  	_ =	shalt  }
0x81: {  	_ =	shalt  }
0x82: {  	_ =	shalt  }
0x83: {  	_ =	shalt  }
0x84: {  	_ =	shalt  }
0x85: {  	_ =	shalt  }
0x86: {  	_ =	shalt  }
0x87: {  	_ =	shalt  }
.Lfunc_end0:
.L_simem_size_0:
called_computation_lowered:
.L_overlay_start_0:
0x88: {  	s2 =	sld [smem:$0x3FD9]  }
0x89: {  	s3 =	sld [smem:$0x3FFE];
	_ =	sdelay $0x1  }
0x8a: {  	s1 =	srdreg.scid  }
0x8b: {  	s0 =	sand.u32 $0x1, s1  }
0x8c: {  	s14 =	sshll.u32 s0, $0xA;
	s2 =	sadd.s32 s3, s2  }
0x8d: {  	s2 =	sadd.s32 s2, s14  }
0x8e: {  	[smem:$0x3FC4] =	sst s2  }
0x8f: {  	_ = 	snop  }
0x90: {  	s2 =	sld [smem:$0x3FD0];
	_ =	sdelay $0x2  }
0x91: {  	s4 =	simm.s32 $0xA;
	s5 =	simm.s32 $0x10;
	s15 =	sld [smem:$0x3FC6]  }
0x92: {  	[smem:s5], [sflag:s4] =	dma.local [hbm:s2], $0x1  }
0x93: {  	_ =	swait.eq [sflag:s4], $0x1  }
0x94: {  	[sflag:s4] =	ssyncset.done $0x0  }
0x95: {  	[sflag:s4] =	ssyncadd.s32 $0xFFFFFFFF  }
0x96: {  	s16 =	sld [smem:$0x11];
	(tm) =	ssettm $0x1  }
0x97: {  	s17 =	sld [smem:$0x3FFB];
	_ =	sdelay $0x3  }
0x98: {  	_ =	strace s17  }
0x99: {  	s4 =	sld [smem:$0x3FFC];
	_ =	sdelay $0x3  }
0x9a: {  	_ =	strace s4  }
0x9b: {  	s4 =	sld [smem:$0x3FFD];
	_ =	sdelay $0x3  }
0x9c: {  	_ =	strace s4  }
0x9d: {  	_ =	strace $0x8FFFFFFF  }
0x9e: {  	s18 =	sld [smem:$0x3FDB];
	_ =	sdelay $0x1  }
0x9f: {  	s19 =	simm.s32 $_scs_section_size  }
0xa0: {  	s6 =	simm.s32 $_size__tile_overlayer_lowered;
	s7 =	simm.s32 $_tile_overlayer_lowered  }
0xa1: {  	s22 =	simm.s32 $0x1BFF;
	s21 =	sshll.u32 s7, $0x1;
	s4 =	sadd.s32 s19, s18  }
0xa2: {  	s8 =	simm.s32 $0x0;
	s20 =	sshll.u32 s6, $0x1;
	s6 =	sadd.s32 s21, s4  }
0xa3: {  	[timem:s8], [sflag:s22] =	dma.local [hbm:s6], s20  }
0xa4: {  	_ =	swait.ge [sflag:s22], s20  }
0xa5: {  	s5 =	ssub.s32 $0x0, s20;
	[sflag:s22] =	ssyncset.done $0x0  }
0xa6: {  	[sflag:s22] =	ssyncadd.s32 s5;
	_ =	sdelay $0x1  }
0xa7: {  	s23 =	simm.s32 $0x1B8B  }
0xa8: {  	_ =	swait.ge [sflag:s23], $0x1  }
0xa9: {  	[sflag:s23] =	ssyncset.done $0x0  }
0xaa: {  	s25 =	simm.s32 $0x1B8E;
	s24 =	sld [smem:$0x3FFE];
	[sflag:s23] =	ssyncadd.s32 $0xFFFFFFFF  }
0xab: {  	s26 =	simm.s32 $execute0_lowered;
	[smem:$0x3FD2] =	sst s25  }
0xac: {  	s6 =	sshll.u32 s26, $0x1;
	_ =	strace $0x80000046;
	[dreg:$0x1] =	wrdreg $0xFFFFFFFF  }
0xad: {  	s28 =	simm.s32 $_size_execute0_lowered;
	s4 =	sadd.s32 s4, s6;
	[dreg:$0x0] =	wrdreg $0x0  }
0xae: {  	s6 =	sshll.u32 s28, $0x1;
	[dreg:$0x2] =	wrdreg s4  }
0xaf: {  	[dreg:$0x3] =	wrdreg s6  }
0xb0: {  	[dreg:$0x4] =	wrdreg $0xC0  }
0xb1: {  	_ =	task [dreg:s8], $0x5FFFF  }
0xb2: {  	[dreg:$0x1] =	wrdreg $0xFFFFFFFF  }
0xb3: {  	[dreg:$0x0] =	wrdreg $0x60  }
0xb4: {  	[dreg:$0x2] =	wrdreg s15  }
0xb5: {  	[dreg:$0x3] =	wrdreg s16  }
0xb6: {  	[dreg:$0x4] =	wrdreg s24  }
0xb7: {  	[dreg:$0x5] =	wrdreg $0x9  }
0xb8: {  	_ =	task.clear_ibuf [dreg:s8], $0x6FFFF;
	_ =	strace $0x90000046  }
0xb9: {  	s29 =	simm.s32 $0x9;
	_ =	strace $0x80000048  }
0xba: {  	_ =	swait.ge [sflag:s29], $0x1  }
0xbb: {  	[sflag:s29] =	ssyncadd.s32 $0xFFFFFFFF  }
0xbc: {  	_ =	strace $0x90000048  }
0xbd: {  	_ =	sfence  }
0xbe: {  	s30 =	sld [smem:$0x0];
	_ =	sdelay $0x2  }
0xbf: {  	s31 =	sshll.u32 s1, $0xD;
	s1 =	sshrl.u32 s1, $0x2  }
0xc0: {  	s3 =	sand.u32 $0x4000, s31;
	s1 =	sadd.s32 s1, s30  }
0xc1: {  	s0 =	sor.u32 s3, s0;
	s1 =	sshll.u32 s1, $0x11  }
0xc2: {  	s0 =	sor.u32 s1, s0  }
0xc3: {  	s0 =	sadd.s32 $0x8F2B, s0  }
0xc4: {  	[sflag:s0] =	ssyncadd.remote.s32 $0x1  }
0xc5: {  	_ =	sfence.sel $0xFFFF  }
0xc6: {  	[dreg:$0x0] =	wrdreg $0xFFFFFFFF;
	(pc) =	sbr.abs _section_cstart, $3  }
0xc7: {  	[dreg:$0x1] =	wrdreg $0xFFFFFFFF  }
0xc8: {  	_ =	task.clear_ibuf [dreg:s8], $0x2FFFF;
	_ =	strace $0x9FFFFFFF  }
0xc9: {  	(tm) =	ssettm $0x7FFFFFFF  }
tec
execute0_lowered:
.L_overlay_start_1:
0x0: {  	(tag) =	ssettag $0x1  }
0x1: {  	s2 =	rddreg [dreg:$0x0]  }
0x2: {  	s4 =	rddreg [dreg:$0x1]  }
0x3: {  	s1 =	srdreg.scid;
	s0 =	stileid.u32  }
0x4: {  	s11 =	rddreg [dreg:$0x2];
	s12 =	sand.u32 $0x1, s1;
	s5 =	sshll.u32 s0, $0x1  }
0x5: {  	s3 =	simm.s32 $0x0;
	s1 =	rddreg [dreg:$0x3];
	s13 =	sor.u32 s12, s5  }
0x6: {  	[smem:$0x7FF] =	sst s3;
	s5 =	sshll.u32 s13, $0x5  }
0x7: {  	_ =	strace $0x80000047;
	s5 =	sadd.s32 s4, s5;
	s4 =	simm.s32 $0x2  }
0x8: {  	[tilespmem:s3], [sflag:$0x2] =	stream.linear.gather [hbm4b:s5+s3], $0x100, $0x38;
	[tilespmem:$0x5100] =	vst v63  }
0x9: {  	_ =	swait.ge [sflag:s4], $0x100  }
0xa: {  	s6 =	simm.s32 $0x50;
	[sflag:s4] =	ssyncset.done $0x0  }
0xb: {  	s7 =	simm.s32 $0x100;
	s8 =	simm.s32 $0x80;
	[sflag:s4] =	ssyncadd.s32 $0xFFFFFF00  }
0xc: {  	[tilespmem:s7], [sflag:$0x1] =	stream.indirect.gather [hbm4b:s2+s6], $0x80, s3, s6, $0xb8;
	[tilespmem:$0x5100] =	vst v63  }
0xd: {  	s9 =	simm.s32 $0x2900;
	s10 =	simm.s32 $0x1;
	s12 =	ssub.s32 $0x2, s12  }
0xe: {  	[tilespmem:s9], [sflag:$0x1] =	stream.indirect.gather [hbm4b:s2+s6], $0x80, s8, s6, $0xb8;
	[tilespmem:$0x5100] =	vst v63  }
0xf: {  	s14 =	sshrl.u32 s12, $0x1;
	_ =	swait.ge [sflag:s10], $0x2800  }
0x10: {  	s12 =	ssub.s32 s12, s14;
	[sflag:s10] =	ssyncset.done $0x0  }
0x11: {  	s13 =	smul.u32 $0xA00, s13;
	s12 =	smax.u32 s12, $0x1;
	[sflag:s10] =	ssyncadd.s32 $0xFFFFD800  }
0x12: {  	p0 =	sne.s32 s12, $0x1;
	_ =	swait.ge [sflag:s10], $0x2800  }
.Ltmp0:
0x13: {  	s11 =	sadd.s32 s13, s11;
	[sflag:s10] =	ssyncset.done $0x0;
	(pc) =	sbr.rel @!p0 .LBB2_2-.Ltmp0, $4  }
0x14: {  	s11 =	sadd.s32 $0xA00, s11;
	[sflag:s10] =	ssyncadd.s32 $0xFFFFD800  }
0x15: {  	[hbm4b:s11+s3] =	stream.linear.scatter [tilespmem:s7], [sflag:$0x2], $0x5000, $0x38;
	[tilespmem:$0x5100] =	vst v63  }
0x16: {  	_ =	swait.ge [sflag:s4], $0x5000  }
0x17: {  	s12 =	sadd.s32 $0xFFFFFFFF, s12;
	[sflag:s4] =	ssyncset.done $0x0  }
.LBB2_1:
0x18: {  	p0 =	sne.s32 s12, $0x1;
	s12 =	sadd.s32 $0xFFFFFFFF, s12;
	[sflag:s4] =	ssyncadd.s32 $0xFFFFB000  }
0x19: {  	[tilespmem:s3], [sflag:$0x2] =	stream.linear.gather [hbm4b:s5+s3], $0x100, $0x38;
	[tilespmem:$0x5100] =	vst v63  }
0x1a: {  	_ =	swait.ge [sflag:s4], $0x100  }
0x1b: {  	[sflag:s4] =	ssyncset.done $0x0  }
0x1c: {  	[sflag:s4] =	ssyncadd.s32 $0xFFFFFF00  }
0x1d: {  	[tilespmem:s7], [sflag:$0x1] =	stream.indirect.gather [hbm4b:s2+s6], $0x80, s3, s6, $0xb8;
	[tilespmem:$0x5100] =	vst v63  }
0x1e: {  	_ = 	snop  }
0x1f: {  	[tilespmem:s9], [sflag:$0x1] =	stream.indirect.gather [hbm4b:s2+s6], $0x80, s8, s6, $0xb8;
	[tilespmem:$0x5100] =	vst v63  }
0x20: {  	_ =	swait.ge [sflag:s10], $0x2800  }
0x21: {  	[sflag:s10] =	ssyncset.done $0x0  }
0x22: {  	[sflag:s10] =	ssyncadd.s32 $0xFFFFD800  }
0x23: {  	_ =	swait.ge [sflag:s10], $0x2800  }
.Ltmp1:
0x24: {  	[sflag:s10] =	ssyncset.done $0x0;
	(pc) =	sbr.rel @p0 .LBB2_1-.Ltmp1, $4  }
0x25: {  	[sflag:s10] =	ssyncadd.s32 $0xFFFFD800  }
0x26: {  	[hbm4b:s11+s3] =	stream.linear.scatter [tilespmem:s7], [sflag:$0x2], $0x5000, $0x38;
	[tilespmem:$0x5100] =	vst v63  }
0x27: {  	_ =	swait.ge [sflag:s4], $0x5000  }
0x28: {  	[sflag:s4] =	ssyncset.done $0x0  }
.LBB2_2:
0x29: {  	[sflag:s4] =	ssyncadd.s32 $0xFFFFB000  }
0x2a: {  	_ =	sfence.sel $0x180000  }
0x2b: {  	[bflag:$0x0] =	sbarrier.arrive $0xFFFF  }
0x2c: {  	p0 =	sne.s32 s0, $0x0;
	_ =	strace $0x90000047  }
0x2d: {  	s0 =	sadd.s32 @!p0 $0x100000, s1;
	[bflag:$0x2] =	sbarrier.arrive $0xFFFF  }
0x2e: {  	[sflag:s0] =	ssyncadd.tile.s32 @!p0 $0x1;
	_ =	shalt  }
.Lfunc_end2:
_tile_overlayer_lowered:
.L_overlay_start_2:
0x2f: {  	(tag) =	ssettag $0x2  }
0x30: {  	s0 =	rddreg [dreg:$0x0];
	s2 =	stileid.u32  }
0x31: {  	s1 =	rddreg [dreg:$0x1];
	p0 =	sne.s32 s2, $0x0  }
0x32: {  	s3 =	rddreg [dreg:$0x2];
	[bflag:$0x3] =	sbarrier.arrive $0xFFFF;
	s2 =	simm.s32 @!p0 $0x1C02  }
0x33: {  	[timem:s3], [sflag:s2] =	dma.local @!p0 [hbm:s0], s1  }
0x34: {  	s0 =	simm.s32 @!p0 $0x2  }
0x35: {  	_ =	swait.ge @!p0 [sflag:s0], s1  }
0x36: {  	s1 =	ssub.s32 @!p0 $0x0, s1;
	[sflag:s0] =	ssyncset.done @!p0 $0x0  }
0x37: {  	[sflag:s0] =	ssyncadd.s32 @!p0 s1  }
0x38: {  	[bflag:$0x3] =	sbarrier.arrive $0xFFFF  }
0x39: {  	_ =	shalt  }

</sc_bundles>
